<compile_context>
chip_gen: v7x
topology: tpu7x:2x2x1
jax: 0.10.2.dev20260603
libtpu: 0.0.44.dev20260713+nightly
codegen_flags: <defaults>
</compile_context>

<pallas_src>
import functools

import jax
import jax.numpy as jnp
from jax import lax
from jax.experimental import pallas as pl
from jax.experimental.pallas import tpu as pltpu
from jax.experimental.pallas import tpu_sc as plsc

N = 10000
NPAD = 10112
D = 128
TW = 144
E = 320000
NC, NS, CH = 2, 16, 64
NW = NC * NS
EPT = 10240
NCHUNK = EPT // CH
EPAD = NW * EPT
RPT = NPAD // NS
PADNODE = N + 50
BLK = 128
NBLK = NPAD // BLK

_f32 = jnp.float32


def _ln_rows(x):
    m = jnp.mean(x, axis=-1, keepdims=True)
    v = jnp.mean((x - m) ** 2, axis=-1, keepdims=True)
    return (x - m) * lax.rsqrt(v + 1e-5)


def _stage1_body(x_ref, w1_ref, a1t_ref, nt_ref, tab_ref):
    i = pl.program_id(0)
    h0 = _ln_rows(x_ref[...])
    h1 = jnp.dot(h0, w1_ref[...], preferred_element_type=_f32)
    ev = jnp.dot(h1, a1t_ref[...], preferred_element_type=_f32)
    nt = nt_ref[...]
    oh = (lax.broadcasted_iota(jnp.int32, (BLK, 8), 1) == nt).astype(_f32)
    t = jnp.sum(ev * oh, axis=-1, keepdims=True)
    rid = i * BLK + lax.broadcasted_iota(jnp.int32, (BLK, 1), 0)
    w = jnp.where(rid < N, jnp.exp(t), 0.0)
    tab_ref[...] = jnp.concatenate(
        [w * h1, w, jnp.zeros((BLK, TW - D - 1), _f32)], axis=1)


def _stage1(xp, W1, a1t, ntp):
    return pl.pallas_call(
        _stage1_body,
        grid=(NBLK,),
        in_specs=[
            pl.BlockSpec((BLK, D), lambda i: (i, 0)),
            pl.BlockSpec((D, D), lambda i: (0, 0)),
            pl.BlockSpec((D, 8), lambda i: (0, 0)),
            pl.BlockSpec((BLK, 1), lambda i: (i, 0)),
        ],
        out_specs=pl.BlockSpec((BLK, TW), lambda i: (i, 0)),
        out_shape=jax.ShapeDtypeStruct((NPAD, TW), _f32),
    )(xp, W1, a1t, ntp)


def _stage2_body(has_mask, *args):
    if has_mask:
        p0_ref, p1_ref, pv_ref, m_ref, h_ref, sraw_ref, ssel_ref = args
    else:
        p0_ref, p1_ref, pv_ref, h_ref, sraw_ref, ssel_ref = args
    i = pl.program_id(0)
    s = p0_ref[0] + p1_ref[0]
    num = s[:, :D]
    den = s[:, D:D + 1]
    r = jnp.maximum(num / (den + 1e-16), 0.0)
    h = _ln_rows(r)
    sc = jnp.tanh(jnp.dot(h, pv_ref[...], preferred_element_type=_f32))[:, 0:1]
    h_ref[...] = h
    sraw_ref[...] = sc
    if has_mask:
        valid = m_ref[...] > 0
    else:
        rid = i * BLK + lax.broadcasted_iota(jnp.int32, (BLK, 1), 0)
        valid = rid < N
    ssel_ref[...] = jnp.where(valid, sc, -jnp.inf)


def _stage2(parts, pv, mcol=None):
    has_mask = mcol is not None
    in_specs = [
        pl.BlockSpec((1, BLK, TW), lambda i: (0, i, 0)),
        pl.BlockSpec((1, BLK, TW), lambda i: (1, i, 0)),
        pl.BlockSpec((D, 8), lambda i: (0, 0)),
    ]
    ops = (parts, parts, pv)
    if has_mask:
        in_specs.append(pl.BlockSpec((BLK, 1), lambda i: (i, 0)))
        ops = ops + (mcol,)
    return pl.pallas_call(
        functools.partial(_stage2_body, has_mask),
        grid=(NBLK,),
        in_specs=in_specs,
        out_specs=[
            pl.BlockSpec((BLK, D), lambda i: (i, 0)),
            pl.BlockSpec((BLK, 1), lambda i: (i, 0)),
            pl.BlockSpec((BLK, 1), lambda i: (i, 0)),
        ],
        out_shape=[
            jax.ShapeDtypeStruct((NPAD, D), _f32),
            jax.ShapeDtypeStruct((NPAD, 1), _f32),
            jax.ShapeDtypeStruct((NPAD, 1), _f32),
        ],
    )(*ops)


def _select_body(k, s_ref, mask_ref):
    s = s_ref[...]
    ik = lax.bitcast_convert_type(s, jnp.int32)
    skey = jnp.where(ik >= 0, ik, ik ^ jnp.int32(0x7FFFFFFF))
    lo = jnp.min(skey)
    hi = jnp.max(skey) + 1

    def it(_, c):
        l, h = c
        mid = (l >> 1) + (h >> 1) + (l & h & 1)
        big = jnp.sum((skey >= mid).astype(jnp.int32)) >= k
        return (jnp.where(big, mid, l), jnp.where(big, h, mid))

    thr, _ = lax.fori_loop(0, 32, it, (lo, hi))
    gt = skey > thr
    eq = skey == thr
    need = (k - jnp.sum(gt.astype(jnp.int32))).astype(_f32)
    eqf = eq.astype(_f32)
    a0 = lax.broadcasted_iota(jnp.int32, (BLK, BLK), 0)
    a1 = lax.broadcasted_iota(jnp.int32, (BLK, BLK), 1)
    mtri = (a0 <= a1).astype(_f32)
    pref = jnp.dot(eqf, mtri, preferred_element_type=_f32)
    rt = jnp.sum(eqf, axis=-1, keepdims=True)
    b0 = lax.broadcasted_iota(jnp.int32, (NBLK, NBLK), 0)
    b1 = lax.broadcasted_iota(jnp.int32, (NBLK, NBLK), 1)
    ltri = (b1 < b0).astype(_f32)
    rex = jnp.dot(ltri, rt, preferred_element_type=_f32)
    cum = rex + pref
    sel = jnp.logical_or(gt, jnp.logical_and(eq, cum <= need))
    mask_ref[...] = sel.astype(_f32)


def _select(ssel, k):
    return pl.pallas_call(
        functools.partial(_select_body, k),
        in_specs=[pl.BlockSpec((NBLK, BLK), lambda: (0, 0))],
        out_specs=pl.BlockSpec((NBLK, BLK), lambda: (0, 0)),
        out_shape=jax.ShapeDtypeStruct((NBLK, BLK), _f32),
    )(ssel)


def _build2_body(h_ref, s_ref, m_ref, w2_ref, a2t_ref, nt_ref, tab_ref, x1_ref):
    i = pl.program_id(0)

    @pl.when(i == 0)
    def _():
        x1_ref[...] = jnp.zeros_like(x1_ref)

    h = h_ref[...]
    hp = h * s_ref[...]
    mk = m_ref[...]
    x1_ref[...] += jnp.sum(hp * mk, axis=0, keepdims=True)
    h2 = jnp.dot(hp, w2_ref[...], preferred_element_type=_f32)
    ev = jnp.dot(h2, a2t_ref[...], preferred_element_type=_f32)
    oh = (lax.broadcasted_iota(jnp.int32, (BLK, 8), 1) == nt_ref[...]).astype(_f32)
    t = jnp.sum(ev * oh, axis=-1, keepdims=True)
    w = jnp.exp(t) * mk
    tab_ref[...] = jnp.concatenate(
        [w * h2, w, jnp.zeros((BLK, TW - D - 1), _f32)], axis=1)


def _build2(h, s1raw, m1col, W2, a2t, ntp):
    return pl.pallas_call(
        _build2_body,
        grid=(NBLK,),
        in_specs=[
            pl.BlockSpec((BLK, D), lambda i: (i, 0)),
            pl.BlockSpec((BLK, 1), lambda i: (i, 0)),
            pl.BlockSpec((BLK, 1), lambda i: (i, 0)),
            pl.BlockSpec((D, D), lambda i: (0, 0)),
            pl.BlockSpec((D, 8), lambda i: (0, 0)),
            pl.BlockSpec((BLK, 1), lambda i: (i, 0)),
        ],
        out_specs=[
            pl.BlockSpec((BLK, TW), lambda i: (i, 0)),
            pl.BlockSpec((1, D), lambda i: (0, 0)),
        ],
        out_shape=[
            jax.ShapeDtypeStruct((NPAD, TW), _f32),
            jax.ShapeDtypeStruct((1, D), _f32),
        ],
    )(h, s1raw, m1col, W2, a2t, ntp)


def _x2_body(h_ref, s_ref, m_ref, x2_ref):
    i = pl.program_id(0)

    @pl.when(i == 0)
    def _():
        x2_ref[...] = jnp.zeros_like(x2_ref)

    x2_ref[...] += jnp.sum(h_ref[...] * s_ref[...] * m_ref[...],
                           axis=0, keepdims=True)


def _x2(h3, s2raw, m2col):
    return pl.pallas_call(
        _x2_body,
        grid=(NBLK,),
        in_specs=[
            pl.BlockSpec((BLK, D), lambda i: (i, 0)),
            pl.BlockSpec((BLK, 1), lambda i: (i, 0)),
            pl.BlockSpec((BLK, 1), lambda i: (i, 0)),
        ],
        out_specs=pl.BlockSpec((1, D), lambda i: (0, 0)),
        out_shape=jax.ShapeDtypeStruct((1, D), _f32),
    )(h3, s2raw, m2col)


def _head_body(x1_ref, x2_ref, lw1_ref, lb1_ref, lw2_ref, lb2_ref, o_ref):
    g = x1_ref[...] / 2000.0 + x2_ref[...] / 500.0
    g1 = jnp.dot(g, lw1_ref[...], preferred_element_type=_f32) + lb1_ref[...]
    g1 = jnp.maximum(g1, 0.0)
    lane = lax.broadcasted_iota(jnp.int32, (1, BLK), 1)
    m64 = (lane < 64).astype(_f32)
    mu = jnp.sum(g1 * m64) / 64.0
    va = jnp.sum(((g1 - mu) * m64) ** 2) / 64.0
    z = (g1 - mu) * lax.rsqrt(va + 1e-5) * m64
    o = jnp.dot(z, lw2_ref[...], preferred_element_type=_f32) + lb2_ref[...]
    om = jnp.where(lane < 6, o, -jnp.inf)
    e = jnp.exp(om - jnp.max(om))
    o_ref[...] = e / jnp.sum(e)


def _head(x1p, x2p, lw1p, lb1p, lw2p, lb2p):
    full = pl.BlockSpec((D, D), lambda: (0, 0))
    row = pl.BlockSpec((1, D), lambda: (0, 0))
    return pl.pallas_call(
        _head_body,
        in_specs=[row, row, full, row, full, row],
        out_specs=row,
        out_shape=jax.ShapeDtypeStruct((1, D), _f32),
    )(x1p, x2p, lw1p, lb1p, lw2p, lb2p)


def _conv_sc_body(tab_hbm, src_hbm, dst_hbm, zero_hbm, out_hbm,
                  src_v, dst_v, rows0, rows1, acc, sem0, sem1):
    cid = lax.axis_index("c")
    sid = lax.axis_index("s")
    wid = cid * NS + sid
    pltpu.sync_copy(zero_hbm, acc.at[pl.ds(sid * RPT, RPT)])
    plsc.subcore_barrier()
    pltpu.sync_copy(src_hbm.at[wid], src_v)
    pltpu.sync_copy(dst_hbm.at[wid], dst_v)
    pltpu.async_copy(tab_hbm.at[src_v.at[0]], rows0, sem0)

    def body(kk, carry):
        j0 = kk * 2
        j1 = j0 + 1
        pltpu.async_copy(tab_hbm.at[src_v.at[j1]], rows1, sem1)
        pltpu.make_async_copy(tab_hbm.at[src_v.at[j0]], rows0, sem0).wait()
        pltpu.sync_copy(rows0, acc.at[dst_v.at[j0]], add=True)

        @pl.when(kk < NCHUNK // 2 - 1)
        def _():
            pltpu.async_copy(tab_hbm.at[src_v.at[j0 + 2]], rows0, sem0)

        pltpu.make_async_copy(tab_hbm.at[src_v.at[j1]], rows1, sem1).wait()
        pltpu.sync_copy(rows1, acc.at[dst_v.at[j1]], add=True)
        return carry

    lax.fori_loop(0, NCHUNK // 2, body, 0)
    plsc.subcore_barrier()
    pltpu.sync_copy(acc.at[pl.ds(sid * RPT, RPT)],
                    out_hbm.at[cid, pl.ds(sid * RPT, RPT)])


@functools.lru_cache(maxsize=1)
def _conv_sc_call():
    return pl.kernel(
        _conv_sc_body,
        out_type=jax.ShapeDtypeStruct((NC, NPAD, TW), _f32),
        mesh=plsc.VectorSubcoreMesh(core_axis_name="c", subcore_axis_name="s",
                                    num_cores=NC, num_subcores=NS),
        scratch_types=[
            pltpu.VMEM((NCHUNK, CH), jnp.int32),
            pltpu.VMEM((NCHUNK, CH), jnp.int32),
            pltpu.VMEM((CH, TW), _f32),
            pltpu.VMEM((CH, TW), _f32),
            pltpu.VMEM_SHARED((NPAD, TW), _f32),
            pltpu.SemaphoreType.DMA,
            pltpu.SemaphoreType.DMA,
        ],
        compiler_params=pltpu.CompilerParams(use_tc_tiling_on_sc=False),
    )


def _conv_accumulate(tab, src_r, dst_r, zeros_blk):
    return _conv_sc_call()(tab, src_r, dst_r, zeros_blk)


def kernel(x, x_y_index, W1, a1, W2, a2, p1, p2, lw1, lb1, lw2, lb2,
           edge_index, node_type, tree):
    xp = jnp.zeros((NPAD, D), _f32).at[:N].set(x)
    ntp = jnp.zeros((NPAD, 1), jnp.int32).at[:N, 0].set(node_type)
    a1t = jnp.zeros((D, 8), _f32).at[:, :3].set(a1.T)
    a2t = jnp.zeros((D, 8), _f32).at[:, :3].set(a2.T)
    p1v = jnp.zeros((D, 8), _f32).at[:, 0].set(p1)
    p2v = jnp.zeros((D, 8), _f32).at[:, 0].set(p2)
    lw1p = jnp.zeros((D, D), _f32).at[:, :64].set(lw1)
    lb1p = jnp.zeros((1, D), _f32).at[0, :64].set(lb1)
    lw2p = jnp.zeros((D, D), _f32).at[:64, :6].set(lw2)
    lb2p = jnp.zeros((1, D), _f32).at[0, :6].set(lb2)
    ei = jnp.full((2, EPAD), PADNODE, jnp.int32).at[:, :E].set(edge_index)
    src_r = ei[0].reshape(NW, NCHUNK, CH)
    dst_r = ei[1].reshape(NW, NCHUNK, CH)
    zeros_blk = jnp.zeros((RPT, TW), _f32)

    tab1 = _stage1(xp, W1, a1t, ntp)
    parts1 = _conv_accumulate(tab1, src_r, dst_r, zeros_blk)
    h, s1raw, s1sel = _stage2(parts1, p1v)
    mask1 = _select(s1sel.reshape(NBLK, BLK), 2000)
    m1col = mask1.reshape(NPAD, 1)
    tab2, x1p = _build2(h, s1raw, m1col, W2, a2t, ntp)
    parts2 = _conv_accumulate(tab2, src_r, dst_r, zeros_blk)
    h3, s2raw, s2sel = _stage2(parts2, p2v, m1col)
    mask2 = _select(s2sel.reshape(NBLK, BLK), 500)
    x2p = _x2(h3, s2raw, mask2.reshape(NPAD, 1))
    o = _head(x1p, x2p, lw1p, lb1p, lw2p, lb2p)
    return o[:, :6]

# --- scband reference (transcript-rebuilt; emitter-appended) ---
"""Pipeline reference for scband-h2-gcn-transformer-23957327577924 (READ-ONLY COPY).

The authoritative reference and input builder live on the scoring server;
editing this copy changes nothing except your own understanding.
"""

import jax, jax.numpy as jnp
import numpy as np

N_NODES = 10000
N_EDGES = 320000
D_IN = 128
N_HIDDEN = 128
OUT_CLASSES = 128
N_TYPES = 3


def layer_norm(x, eps=1e-5):
    m = jnp.mean(x, axis=-1, keepdims=True)
    v = jnp.var(x, axis=-1, keepdims=True)
    return (x - m) / jnp.sqrt(v + eps)


def segment_softmax(e, dst, num_segments):
    emax = jax.ops.segment_max(e, dst, num_segments=num_segments)
    emax = jnp.where(jnp.isfinite(emax), emax, 0.0)
    emax = jax.lax.stop_gradient(emax)
    ee = jnp.exp(e - emax[dst])
    denom = jax.ops.segment_sum(ee, dst, num_segments=num_segments)
    return ee / (denom[dst] + 1e-16)


def raconv(x, edge_index, node_type, W, a, edge_mask=None):
    # relation-aware conv: linear transform + per-edge type-conditioned attention + scatter-add
    h = x @ W
    src = edge_index[0]
    dst = edge_index[1]
    msg = h[src]
    e = jnp.sum(msg * a[node_type[src]], axis=-1)
    if edge_mask is not None:
        e = jnp.where(edge_mask, e, -jnp.inf)
    alpha = segment_softmax(e, dst, x.shape[0])
    if edge_mask is not None:
        alpha = jnp.where(edge_mask, alpha, 0.0)
    return jax.ops.segment_sum(alpha[:, None] * msg, dst, num_segments=x.shape[0])


def pool_structure(score, edge_index, ratio, edge_mask=None):
    # top-k node selection + edge relabeling, fixed-shape with a validity mask
    N = score.shape[0]
    if ratio < 1.0:
        k = max(1, int(np.ceil(ratio * N)))
    else:
        k = max(1, int(np.ceil(N / ratio)))
    _, perm = jax.lax.top_k(score, k)
    node_map = jnp.full((N,), -1, dtype=jnp.int32).at[perm].set(jnp.arange(k, dtype=jnp.int32))
    src2 = node_map[edge_index[0]]
    dst2 = node_map[edge_index[1]]
    valid = (src2 >= 0) & (dst2 >= 0)
    if edge_mask is not None:
        valid = valid & edge_mask
    ei = jnp.stack([jnp.where(valid, src2, 0), jnp.where(valid, dst2, 0)]).astype(jnp.int32)
    return perm, ei, valid


def _forward(x, x_y_index, W1, a1, W2, a2, p1, p2, lw1, lb1, lw2, lb2, edge_index, node_type, tree, struct=None):
    s = {} if struct is None else struct
    xy = x_y_index * 2 - 1
    h = layer_norm(x)
    h = raconv(h, edge_index, node_type, W1, a1)
    h = jax.nn.relu(h)
    h = layer_norm(h)
    score1 = jnp.tanh(h @ p1)
    if struct is None:
        perm1, ei1, m1 = pool_structure(score1, edge_index, 0.2)
        s['perm1'], s['ei1'], s['m1'] = perm1, ei1, m1
    else:
        perm1, ei1, m1 = s['perm1'], s['ei1'], s['m1']
    h = h[perm1] * score1[perm1][:, None]
    nt1 = node_type[perm1]
    x1 = jnp.mean(h, axis=0, keepdims=True)  # global_mean_pool, single graph
    h = raconv(h, ei1, nt1, W2, a2, edge_mask=m1)
    h = jax.nn.relu(h)
    h = layer_norm(h)
    score2 = jnp.tanh(h @ p2)
    if struct is None:
        perm2, ei2, m2 = pool_structure(score2, ei1, 4.0, edge_mask=m1)
        s['perm2'], s['ei2'], s['m2'] = perm2, ei2, m2
    else:
        perm2, ei2, m2 = s['perm2'], s['ei2'], s['m2']
    h = h[perm2] * score2[perm2][:, None]
    x2 = jnp.mean(h, axis=0, keepdims=True)
    g = x1 + x2
    g = g @ lw1 + lb1
    g = jax.nn.relu(g)
    g = layer_norm(g)
    g = g @ lw2 + lb2
    out = jax.nn.softmax(g, axis=-1)
    return out, s


def setup_inputs(seed: int = 0):
    key = jax.random.key(seed)
    ks = jax.random.split(key, 20)
    x = jax.random.normal(ks[0], (N_NODES, D_IN), dtype=jnp.float32)
    edge_index = jax.random.randint(ks[1], (2, N_EDGES), 0, N_NODES, dtype=jnp.int32)
    node_type = jax.random.randint(ks[2], (N_NODES,), 0, N_TYPES, dtype=jnp.int32)
    tree = jax.random.randint(ks[3], (N_NODES,), 0, 4, dtype=jnp.int32)
    x_y_index = jax.random.uniform(ks[4], (N_NODES, 2), dtype=jnp.float32)
    W1 = jax.random.normal(ks[5], (D_IN, N_HIDDEN), dtype=jnp.float32) * 0.05
    a1 = jax.random.normal(ks[6], (N_TYPES, N_HIDDEN), dtype=jnp.float32) * 0.05
    W2 = jax.random.normal(ks[7], (N_HIDDEN, OUT_CLASSES), dtype=jnp.float32) * 0.05
    a2 = jax.random.normal(ks[8], (N_TYPES, OUT_CLASSES), dtype=jnp.float32) * 0.05
    p1 = jax.random.normal(ks[9], (OUT_CLASSES,), dtype=jnp.float32) * 0.05
    p2 = jax.random.normal(ks[10], (OUT_CLASSES,), dtype=jnp.float32) * 0.05
    lw1 = jax.random.normal(ks[11], (OUT_CLASSES, OUT_CLASSES // 2), dtype=jnp.float32) * 0.05
    lb1 = jnp.zeros((OUT_CLASSES // 2,), dtype=jnp.float32)
    lw2 = jax.random.normal(ks[12], (OUT_CLASSES // 2, 6), dtype=jnp.float32) * 0.05
    lb2 = jnp.zeros((6,), dtype=jnp.float32)
    return dict(x=x, x_y_index=x_y_index, W1=W1, a1=a1, W2=W2, a2=a2, p1=p1, p2=p2, lw1=lw1, lb1=lb1, lw2=lw2, lb2=lb2, edge_index=edge_index, node_type=node_type, tree=tree)


def reference(x, x_y_index, W1, a1, W2, a2, p1, p2, lw1, lb1, lw2, lb2, edge_index, node_type, tree):
    out, _ = _forward(x, x_y_index, W1, a1, W2, a2, p1, p2, lw1, lb1, lw2, lb2, edge_index, node_type, tree, struct=None)
    return out

if __name__ == "__main__":
    import jax
    _d = setup_inputs()
    print(jax.jit(kernel)(*tuple(_d.values())))

</pallas_src>

<mosaic_0001>
#map = affine_map<(d0, d1) -> (0, 0)>
#map1 = affine_map<(d0, d1) -> (0, 0, 0)>
module attributes {stable_mosaic.version = 14 : i64} {
  func.func @_conv_sc_body(%arg0: i32, %arg1: i32, %arg2: memref<10112x144xf32, #tpu.memory_space<hbm>>, %arg3: memref<32x160x64xi32, #tpu.memory_space<hbm>>, %arg4: memref<32x160x64xi32, #tpu.memory_space<hbm>>, %arg5: memref<632x144xf32, #tpu.memory_space<hbm>>, %arg6: memref<2x10112x144xf32, #tpu.memory_space<hbm>>, %arg7: memref<160x64xi32, #tpu.memory_space<vmem>>, %arg8: memref<160x64xi32, #tpu.memory_space<vmem>>, %arg9: memref<64x144xf32, #tpu.memory_space<vmem>>, %arg10: memref<64x144xf32, #tpu.memory_space<vmem>>, %arg11: memref<10112x144xf32, #tpu.memory_space<vmem_shared>>, %arg12: memref<!tpu.dma_semaphore, #tpu.memory_space<semaphore_mem>>, %arg13: memref<!tpu.dma_semaphore, #tpu.memory_space<semaphore_mem>>) attributes {dimension_semantics = [#tpu.dimension_semantics<core_parallel>, #tpu.dimension_semantics<subcore_parallel>], iteration_bounds = array<i64: 2, 16>, scalar_prefetch = 0 : i64, scratch_operands = 7 : i64, tpu.core_type = #tpu.core_type<sc_vector_subcore>, window_params = [{transform_indices = #map}, {transform_indices = #map1}, {transform_indices = #map1}, {transform_indices = #map}, {transform_indices = #map1}]} {
    %mul3A = arith.constant 16 : i32
    %mul3A_0 = arith.muli %arg0, %mul3A : i32
    %add3A = arith.addi %mul3A_0, %arg1 : i32
    %mul3A_1 = arith.constant 632 : i32
    %mul3A_2 = arith.muli %arg1, %mul3A_1 : i32
    "tpu.region"() ({
      %run_scoped3A = tpu.sem_alloc : memref<!tpu.dma_semaphore, #tpu.memory_space<semaphore_mem>>
      %dma_start3A_19 = arith.constant 0 : i32
      %dma_start3A_20 = tpu.memref_slice %arg11[%mul3A_2, %dma_start3A_19] : memref<10112x144xf32, #tpu.memory_space<vmem_shared>> -> memref<632x144xf32, #tpu.memory_space<vmem_shared>>
      tpu.enqueue_dma source(%arg5 : memref<632x144xf32, #tpu.memory_space<hbm>>) target(%dma_start3A_20 : memref<632x144xf32, #tpu.memory_space<vmem_shared>>) target_semaphore(%run_scoped3A : memref<!tpu.dma_semaphore, #tpu.memory_space<semaphore_mem>>)
      %dma_wait3A = arith.constant 0 : i32
      %dma_wait3A_21 = tpu.memref_slice %arg11[%mul3A_2, %dma_wait3A] : memref<10112x144xf32, #tpu.memory_space<vmem_shared>> -> memref<632x144xf32, #tpu.memory_space<vmem_shared>>
      tpu.wait_dma2 semaphore(%run_scoped3A : memref<!tpu.dma_semaphore, #tpu.memory_space<semaphore_mem>>) src(%arg5 : memref<632x144xf32, #tpu.memory_space<hbm>>) dst(%dma_wait3A_21 : memref<632x144xf32, #tpu.memory_space<vmem_shared>>)
      tpu.yield
    }) : () -> ()
    %barrier3A = arith.constant 0 : index
    tpu.barrier barrier_id(%barrier3A)
    "tpu.region"() ({
      %run_scoped3A = tpu.sem_alloc : memref<!tpu.dma_semaphore, #tpu.memory_space<semaphore_mem>>
      %dma_start3A_19 = arith.constant 0 : i32
      %dma_start3A_20 = arith.constant 0 : i32
      %dma_start3A_21 = tpu.memref_slice %arg3[%add3A, %dma_start3A_19, %dma_start3A_20] : memref<32x160x64xi32, #tpu.memory_space<hbm>> -> memref<1x160x64xi32, #tpu.memory_space<hbm>>
      %dma_start3A_22 = tpu.memref_squeeze %dma_start3A_21 : memref<1x160x64xi32, #tpu.memory_space<hbm>> -> memref<160x64xi32, #tpu.memory_space<hbm>>
      %dma_start3A_23 = arith.constant 0 : i32
      %dma_start3A_24 = arith.constant 0 : i32
      %dma_start3A_25 = tpu.memref_slice %arg3[%add3A, %dma_start3A_23, %dma_start3A_24] : memref<32x160x64xi32, #tpu.memory_space<hbm>> -> memref<1x160x64xi32, #tpu.memory_space<hbm>>
      %dma_start3A_26 = tpu.memref_squeeze %dma_start3A_25 : memref<1x160x64xi32, #tpu.memory_space<hbm>> -> memref<160x64xi32, #tpu.memory_space<hbm>>
      tpu.enqueue_dma source(%dma_start3A_26 : memref<160x64xi32, #tpu.memory_space<hbm>>) target(%arg7 : memref<160x64xi32, #tpu.memory_space<vmem>>) target_semaphore(%run_scoped3A : memref<!tpu.dma_semaphore, #tpu.memory_space<semaphore_mem>>)
      %dma_wait3A = arith.constant 0 : i32
      %dma_wait3A_27 = arith.constant 0 : i32
      %dma_wait3A_28 = tpu.memref_slice %arg3[%add3A, %dma_wait3A, %dma_wait3A_27] : memref<32x160x64xi32, #tpu.memory_space<hbm>> -> memref<1x160x64xi32, #tpu.memory_space<hbm>>
      %dma_wait3A_29 = tpu.memref_squeeze %dma_wait3A_28 : memref<1x160x64xi32, #tpu.memory_space<hbm>> -> memref<160x64xi32, #tpu.memory_space<hbm>>
      %dma_wait3A_30 = arith.constant 0 : i32
      %dma_wait3A_31 = arith.constant 0 : i32
      %dma_wait3A_32 = tpu.memref_slice %arg3[%add3A, %dma_wait3A_30, %dma_wait3A_31] : memref<32x160x64xi32, #tpu.memory_space<hbm>> -> memref<1x160x64xi32, #tpu.memory_space<hbm>>
      %dma_wait3A_33 = tpu.memref_squeeze %dma_wait3A_32 : memref<1x160x64xi32, #tpu.memory_space<hbm>> -> memref<160x64xi32, #tpu.memory_space<hbm>>
      tpu.wait_dma2 semaphore(%run_scoped3A : memref<!tpu.dma_semaphore, #tpu.memory_space<semaphore_mem>>) src(%dma_wait3A_33 : memref<160x64xi32, #tpu.memory_space<hbm>>) dst(%arg7 : memref<160x64xi32, #tpu.memory_space<vmem>>)
      tpu.yield
    }) : () -> ()
    "tpu.region"() ({
      %run_scoped3A = tpu.sem_alloc : memref<!tpu.dma_semaphore, #tpu.memory_space<semaphore_mem>>
      %dma_start3A_19 = arith.constant 0 : i32
      %dma_start3A_20 = arith.constant 0 : i32
      %dma_start3A_21 = tpu.memref_slice %arg4[%add3A, %dma_start3A_19, %dma_start3A_20] : memref<32x160x64xi32, #tpu.memory_space<hbm>> -> memref<1x160x64xi32, #tpu.memory_space<hbm>>
      %dma_start3A_22 = tpu.memref_squeeze %dma_start3A_21 : memref<1x160x64xi32, #tpu.memory_space<hbm>> -> memref<160x64xi32, #tpu.memory_space<hbm>>
      %dma_start3A_23 = arith.constant 0 : i32
      %dma_start3A_24 = arith.constant 0 : i32
      %dma_start3A_25 = tpu.memref_slice %arg4[%add3A, %dma_start3A_23, %dma_start3A_24] : memref<32x160x64xi32, #tpu.memory_space<hbm>> -> memref<1x160x64xi32, #tpu.memory_space<hbm>>
      %dma_start3A_26 = tpu.memref_squeeze %dma_start3A_25 : memref<1x160x64xi32, #tpu.memory_space<hbm>> -> memref<160x64xi32, #tpu.memory_space<hbm>>
      tpu.enqueue_dma source(%dma_start3A_26 : memref<160x64xi32, #tpu.memory_space<hbm>>) target(%arg8 : memref<160x64xi32, #tpu.memory_space<vmem>>) target_semaphore(%run_scoped3A : memref<!tpu.dma_semaphore, #tpu.memory_space<semaphore_mem>>)
      %dma_wait3A = arith.constant 0 : i32
      %dma_wait3A_27 = arith.constant 0 : i32
      %dma_wait3A_28 = tpu.memref_slice %arg4[%add3A, %dma_wait3A, %dma_wait3A_27] : memref<32x160x64xi32, #tpu.memory_space<hbm>> -> memref<1x160x64xi32, #tpu.memory_space<hbm>>
      %dma_wait3A_29 = tpu.memref_squeeze %dma_wait3A_28 : memref<1x160x64xi32, #tpu.memory_space<hbm>> -> memref<160x64xi32, #tpu.memory_space<hbm>>
      %dma_wait3A_30 = arith.constant 0 : i32
      %dma_wait3A_31 = arith.constant 0 : i32
      %dma_wait3A_32 = tpu.memref_slice %arg4[%add3A, %dma_wait3A_30, %dma_wait3A_31] : memref<32x160x64xi32, #tpu.memory_space<hbm>> -> memref<1x160x64xi32, #tpu.memory_space<hbm>>
      %dma_wait3A_33 = tpu.memref_squeeze %dma_wait3A_32 : memref<1x160x64xi32, #tpu.memory_space<hbm>> -> memref<160x64xi32, #tpu.memory_space<hbm>>
      tpu.wait_dma2 semaphore(%run_scoped3A : memref<!tpu.dma_semaphore, #tpu.memory_space<semaphore_mem>>) src(%dma_wait3A_33 : memref<160x64xi32, #tpu.memory_space<hbm>>) dst(%arg8 : memref<160x64xi32, #tpu.memory_space<vmem>>)
      tpu.yield
    }) : () -> ()
    %dma_start3A = arith.constant 0 : i32
    %dma_start3A_3 = arith.constant 0 : i32
    %dma_start3A_4 = tpu.memref_slice %arg7[%dma_start3A, %dma_start3A_3] : memref<160x64xi32, #tpu.memory_space<vmem>> -> memref<1x64xi32, #tpu.memory_space<vmem>>
    %dma_start3A_5 = tpu.memref_squeeze %dma_start3A_4 : memref<1x64xi32, #tpu.memory_space<vmem>> -> memref<64xi32, #tpu.memory_space<vmem>>
    %dma_start3A_6 = arith.constant 0 : i32
    %dma_start3A_7 = arith.constant 0 : i32
    %dma_start3A_8 = tpu.memref_slice %arg2[%dma_start3A_6, %dma_start3A_7] : memref<10112x144xf32, #tpu.memory_space<hbm>> -> memref<10112x144xf32, #tpu.memory_space<hbm>>
    tpu.enqueue_indirect_dma source(%dma_start3A_8 : memref<10112x144xf32, #tpu.memory_space<hbm>>) target(%arg9 : memref<64x144xf32, #tpu.memory_space<vmem>>) offsets(%dma_start3A_5 : memref<64xi32, #tpu.memory_space<vmem>>) semaphore(%arg12 : memref<!tpu.dma_semaphore, #tpu.memory_space<semaphore_mem>>)
    %scan3A = arith.constant 0 : i32
    %scan3A_9 = arith.constant 0 : i32
    %scan3A_10 = arith.constant 80 : i32
    %scan3A_11 = arith.addi %scan3A_9, %scan3A_10 : i32
    %scan3A_12 = arith.constant 1 : i32
    scf.for %scan3A_19 = %scan3A_9 to %scan3A_11 step %scan3A_12  : i32 {
      %mul3A_20 = arith.constant 2 : i32
      %mul3A_21 = arith.muli %scan3A_19, %mul3A_20 : i32
      %add3A_22 = arith.constant 1 : i32
      %add3A_23 = arith.addi %mul3A_21, %add3A_22 : i32
      %dma_start3A_24 = arith.constant 0 : i32
      %dma_start3A_25 = tpu.memref_slice %arg7[%add3A_23, %dma_start3A_24] : memref<160x64xi32, #tpu.memory_space<vmem>> -> memref<1x64xi32, #tpu.memory_space<vmem>>
      %dma_start3A_26 = tpu.memref_squeeze %dma_start3A_25 : memref<1x64xi32, #tpu.memory_space<vmem>> -> memref<64xi32, #tpu.memory_space<vmem>>
      %dma_start3A_27 = arith.constant 0 : i32
      %dma_start3A_28 = arith.constant 0 : i32
      %dma_start3A_29 = tpu.memref_slice %arg2[%dma_start3A_27, %dma_start3A_28] : memref<10112x144xf32, #tpu.memory_space<hbm>> -> memref<10112x144xf32, #tpu.memory_space<hbm>>
      tpu.enqueue_indirect_dma source(%dma_start3A_29 : memref<10112x144xf32, #tpu.memory_space<hbm>>) target(%arg10 : memref<64x144xf32, #tpu.memory_space<vmem>>) offsets(%dma_start3A_26 : memref<64xi32, #tpu.memory_space<vmem>>) semaphore(%arg13 : memref<!tpu.dma_semaphore, #tpu.memory_space<semaphore_mem>>)
      %dma_wait3A = arith.constant 0 : i32
      %dma_wait3A_30 = tpu.memref_slice %arg7[%mul3A_21, %dma_wait3A] : memref<160x64xi32, #tpu.memory_space<vmem>> -> memref<1x64xi32, #tpu.memory_space<vmem>>
      %dma_wait3A_31 = tpu.memref_squeeze %dma_wait3A_30 : memref<1x64xi32, #tpu.memory_space<vmem>> -> memref<64xi32, #tpu.memory_space<vmem>>
      %dma_wait3A_32 = arith.constant 0 : i32
      %dma_wait3A_33 = arith.constant 0 : i32
      %dma_wait3A_34 = tpu.memref_slice %arg2[%dma_wait3A_32, %dma_wait3A_33] : memref<10112x144xf32, #tpu.memory_space<hbm>> -> memref<10112x144xf32, #tpu.memory_space<hbm>>
      tpu.wait_indirect_dma semaphore(%arg12 : memref<!tpu.dma_semaphore, #tpu.memory_space<semaphore_mem>>) src(%dma_wait3A_34 : memref<10112x144xf32, #tpu.memory_space<hbm>>) dst(%arg9 : memref<64x144xf32, #tpu.memory_space<vmem>>)
      "tpu.region"() ({
        %run_scoped3A = tpu.sem_alloc : memref<!tpu.dma_semaphore, #tpu.memory_space<semaphore_mem>>
        %dma_start3A_43 = arith.constant 0 : i32
        %dma_start3A_44 = tpu.memref_slice %arg8[%mul3A_21, %dma_start3A_43] : memref<160x64xi32, #tpu.memory_space<vmem>> -> memref<1x64xi32, #tpu.memory_space<vmem>>
        %dma_start3A_45 = tpu.memref_squeeze %dma_start3A_44 : memref<1x64xi32, #tpu.memory_space<vmem>> -> memref<64xi32, #tpu.memory_space<vmem>>
        %dma_start3A_46 = arith.constant 0 : i32
        %dma_start3A_47 = arith.constant 0 : i32
        %dma_start3A_48 = tpu.memref_slice %arg11[%dma_start3A_46, %dma_start3A_47] : memref<10112x144xf32, #tpu.memory_space<vmem_shared>> -> memref<10112x144xf32, #tpu.memory_space<vmem_shared>>
        tpu.enqueue_indirect_dma source(%arg9 : memref<64x144xf32, #tpu.memory_space<vmem>>) target(%dma_start3A_48 : memref<10112x144xf32, #tpu.memory_space<vmem_shared>>) offsets(%dma_start3A_45 : memref<64xi32, #tpu.memory_space<vmem>>) semaphore(%run_scoped3A : memref<!tpu.dma_semaphore, #tpu.memory_space<semaphore_mem>>) {add = true}
        %dma_wait3A_49 = arith.constant 0 : i32
        %dma_wait3A_50 = tpu.memref_slice %arg8[%mul3A_21, %dma_wait3A_49] : memref<160x64xi32, #tpu.memory_space<vmem>> -> memref<1x64xi32, #tpu.memory_space<vmem>>
        %dma_wait3A_51 = tpu.memref_squeeze %dma_wait3A_50 : memref<1x64xi32, #tpu.memory_space<vmem>> -> memref<64xi32, #tpu.memory_space<vmem>>
        %dma_wait3A_52 = arith.constant 0 : i32
        %dma_wait3A_53 = arith.constant 0 : i32
        %dma_wait3A_54 = tpu.memref_slice %arg11[%dma_wait3A_52, %dma_wait3A_53] : memref<10112x144xf32, #tpu.memory_space<vmem_shared>> -> memref<10112x144xf32, #tpu.memory_space<vmem_shared>>
        tpu.wait_indirect_dma semaphore(%run_scoped3A : memref<!tpu.dma_semaphore, #tpu.memory_space<semaphore_mem>>) src(%arg9 : memref<64x144xf32, #tpu.memory_space<vmem>>) dst(%dma_wait3A_54 : memref<10112x144xf32, #tpu.memory_space<vmem_shared>>)
        tpu.yield
      }) : () -> ()
      %lt3A = arith.constant 79 : i32
      %lt3A_35 = arith.cmpi slt, %scan3A_19, %lt3A : i32
      %convert_element_type3A = arith.extui %lt3A_35 : i1 to i32
      %cond3A = arith.constant 0 : i32
      %cond3A_36 = arith.cmpi ne, %convert_element_type3A, %cond3A : i32
      scf.if %cond3A_36 {
        %add3A_43 = arith.constant 2 : i32
        %add3A_44 = arith.addi %mul3A_21, %add3A_43 : i32
        %dma_start3A_45 = arith.constant 0 : i32
        %dma_start3A_46 = tpu.memref_slice %arg7[%add3A_44, %dma_start3A_45] : memref<160x64xi32, #tpu.memory_space<vmem>> -> memref<1x64xi32, #tpu.memory_space<vmem>>
        %dma_start3A_47 = tpu.memref_squeeze %dma_start3A_46 : memref<1x64xi32, #tpu.memory_space<vmem>> -> memref<64xi32, #tpu.memory_space<vmem>>
        %dma_start3A_48 = arith.constant 0 : i32
        %dma_start3A_49 = arith.constant 0 : i32
        %dma_start3A_50 = tpu.memref_slice %arg2[%dma_start3A_48, %dma_start3A_49] : memref<10112x144xf32, #tpu.memory_space<hbm>> -> memref<10112x144xf32, #tpu.memory_space<hbm>>
        tpu.enqueue_indirect_dma source(%dma_start3A_50 : memref<10112x144xf32, #tpu.memory_space<hbm>>) target(%arg9 : memref<64x144xf32, #tpu.memory_space<vmem>>) offsets(%dma_start3A_47 : memref<64xi32, #tpu.memory_space<vmem>>) semaphore(%arg12 : memref<!tpu.dma_semaphore, #tpu.memory_space<semaphore_mem>>)
      } else {
      }
      %dma_wait3A_37 = arith.constant 0 : i32
      %dma_wait3A_38 = tpu.memref_slice %arg7[%add3A_23, %dma_wait3A_37] : memref<160x64xi32, #tpu.memory_space<vmem>> -> memref<1x64xi32, #tpu.memory_space<vmem>>
      %dma_wait3A_39 = tpu.memref_squeeze %dma_wait3A_38 : memref<1x64xi32, #tpu.memory_space<vmem>> -> memref<64xi32, #tpu.memory_space<vmem>>
      %dma_wait3A_40 = arith.constant 0 : i32
      %dma_wait3A_41 = arith.constant 0 : i32
      %dma_wait3A_42 = tpu.memref_slice %arg2[%dma_wait3A_40, %dma_wait3A_41] : memref<10112x144xf32, #tpu.memory_space<hbm>> -> memref<10112x144xf32, #tpu.memory_space<hbm>>
      tpu.wait_indirect_dma semaphore(%arg13 : memref<!tpu.dma_semaphore, #tpu.memory_space<semaphore_mem>>) src(%dma_wait3A_42 : memref<10112x144xf32, #tpu.memory_space<hbm>>) dst(%arg10 : memref<64x144xf32, #tpu.memory_space<vmem>>)
      "tpu.region"() ({
        %run_scoped3A = tpu.sem_alloc : memref<!tpu.dma_semaphore, #tpu.memory_space<semaphore_mem>>
        %dma_start3A_43 = arith.constant 0 : i32
        %dma_start3A_44 = tpu.memref_slice %arg8[%add3A_23, %dma_start3A_43] : memref<160x64xi32, #tpu.memory_space<vmem>> -> memref<1x64xi32, #tpu.memory_space<vmem>>
        %dma_start3A_45 = tpu.memref_squeeze %dma_start3A_44 : memref<1x64xi32, #tpu.memory_space<vmem>> -> memref<64xi32, #tpu.memory_space<vmem>>
        %dma_start3A_46 = arith.constant 0 : i32
        %dma_start3A_47 = arith.constant 0 : i32
        %dma_start3A_48 = tpu.memref_slice %arg11[%dma_start3A_46, %dma_start3A_47] : memref<10112x144xf32, #tpu.memory_space<vmem_shared>> -> memref<10112x144xf32, #tpu.memory_space<vmem_shared>>
        tpu.enqueue_indirect_dma source(%arg10 : memref<64x144xf32, #tpu.memory_space<vmem>>) target(%dma_start3A_48 : memref<10112x144xf32, #tpu.memory_space<vmem_shared>>) offsets(%dma_start3A_45 : memref<64xi32, #tpu.memory_space<vmem>>) semaphore(%run_scoped3A : memref<!tpu.dma_semaphore, #tpu.memory_space<semaphore_mem>>) {add = true}
        %dma_wait3A_49 = arith.constant 0 : i32
        %dma_wait3A_50 = tpu.memref_slice %arg8[%add3A_23, %dma_wait3A_49] : memref<160x64xi32, #tpu.memory_space<vmem>> -> memref<1x64xi32, #tpu.memory_space<vmem>>
        %dma_wait3A_51 = tpu.memref_squeeze %dma_wait3A_50 : memref<1x64xi32, #tpu.memory_space<vmem>> -> memref<64xi32, #tpu.memory_space<vmem>>
        %dma_wait3A_52 = arith.constant 0 : i32
        %dma_wait3A_53 = arith.constant 0 : i32
        %dma_wait3A_54 = tpu.memref_slice %arg11[%dma_wait3A_52, %dma_wait3A_53] : memref<10112x144xf32, #tpu.memory_space<vmem_shared>> -> memref<10112x144xf32, #tpu.memory_space<vmem_shared>>
        tpu.wait_indirect_dma semaphore(%run_scoped3A : memref<!tpu.dma_semaphore, #tpu.memory_space<semaphore_mem>>) src(%arg10 : memref<64x144xf32, #tpu.memory_space<vmem>>) dst(%dma_wait3A_54 : memref<10112x144xf32, #tpu.memory_space<vmem_shared>>)
        tpu.yield
      }) : () -> ()
    }
    %scan3A_13 = arith.constant 80 : i32
    %barrier3A_14 = arith.constant 0 : index
    tpu.barrier barrier_id(%barrier3A_14)
    %mul3A_15 = arith.constant 632 : i32
    %mul3A_16 = arith.muli %arg1, %mul3A_15 : i32
    %mul3A_17 = arith.constant 632 : i32
    %mul3A_18 = arith.muli %arg1, %mul3A_17 : i32
    "tpu.region"() ({
      %run_scoped3A = tpu.sem_alloc : memref<!tpu.dma_semaphore, #tpu.memory_space<semaphore_mem>>
      %dma_start3A_19 = arith.constant 0 : i32
      %dma_start3A_20 = tpu.memref_slice %arg6[%arg0, %mul3A_18, %dma_start3A_19] : memref<2x10112x144xf32, #tpu.memory_space<hbm>> -> memref<1x632x144xf32, #tpu.memory_space<hbm>>
      %dma_start3A_21 = tpu.memref_squeeze %dma_start3A_20 : memref<1x632x144xf32, #tpu.memory_space<hbm>> -> memref<632x144xf32, #tpu.memory_space<hbm>>
      %dma_start3A_22 = arith.constant 0 : i32
      %dma_start3A_23 = tpu.memref_slice %arg11[%mul3A_16, %dma_start3A_22] : memref<10112x144xf32, #tpu.memory_space<vmem_shared>> -> memref<632x144xf32, #tpu.memory_space<vmem_shared>>
      tpu.enqueue_dma source(%dma_start3A_23 : memref<632x144xf32, #tpu.memory_space<vmem_shared>>) target(%dma_start3A_21 : memref<632x144xf32, #tpu.memory_space<hbm>>) target_semaphore(%run_scoped3A : memref<!tpu.dma_semaphore, #tpu.memory_space<semaphore_mem>>)
      %dma_wait3A = arith.constant 0 : i32
      %dma_wait3A_24 = tpu.memref_slice %arg6[%arg0, %mul3A_18, %dma_wait3A] : memref<2x10112x144xf32, #tpu.memory_space<hbm>> -> memref<1x632x144xf32, #tpu.memory_space<hbm>>
      %dma_wait3A_25 = tpu.memref_squeeze %dma_wait3A_24 : memref<1x632x144xf32, #tpu.memory_space<hbm>> -> memref<632x144xf32, #tpu.memory_space<hbm>>
      %dma_wait3A_26 = arith.constant 0 : i32
      %dma_wait3A_27 = tpu.memref_slice %arg11[%mul3A_16, %dma_wait3A_26] : memref<10112x144xf32, #tpu.memory_space<vmem_shared>> -> memref<632x144xf32, #tpu.memory_space<vmem_shared>>
      tpu.wait_dma2 semaphore(%run_scoped3A : memref<!tpu.dma_semaphore, #tpu.memory_space<semaphore_mem>>) src(%dma_wait3A_27 : memref<632x144xf32, #tpu.memory_space<vmem_shared>>) dst(%dma_wait3A_25 : memref<632x144xf32, #tpu.memory_space<hbm>>)
      tpu.yield
    }) : () -> ()
    return
  }
}

#map = affine_map<(d0, d1) -> (0, 0)>
#map1 = affine_map<(d0, d1) -> (0, 0, 0)>
module attributes {stable_mosaic.version = 14 : i64} {
  func.func @_conv_sc_body(%arg0: i32, %arg1: i32, %arg2: memref<10112x144xf32, #tpu.memory_space<hbm>>, %arg3: memref<32x160x64xi32, #tpu.memory_space<hbm>>, %arg4: memref<32x160x64xi32, #tpu.memory_space<hbm>>, %arg5: memref<632x144xf32, #tpu.memory_space<hbm>>, %arg6: memref<2x10112x144xf32, #tpu.memory_space<hbm>>, %arg7: memref<160x64xi32, #tpu.memory_space<vmem>>, %arg8: memref<160x64xi32, #tpu.memory_space<vmem>>, %arg9: memref<64x144xf32, #tpu.memory_space<vmem>>, %arg10: memref<64x144xf32, #tpu.memory_space<vmem>>, %arg11: memref<10112x144xf32, #tpu.memory_space<vmem_shared>>, %arg12: memref<!tpu.dma_semaphore, #tpu.memory_space<semaphore_mem>>, %arg13: memref<!tpu.dma_semaphore, #tpu.memory_space<semaphore_mem>>) attributes {dimension_semantics = [#tpu.dimension_semantics<core_parallel>, #tpu.dimension_semantics<subcore_parallel>], iteration_bounds = array<i64: 2, 16>, scalar_prefetch = 0 : i64, scratch_operands = 7 : i64, tpu.core_type = #tpu.core_type<sc_vector_subcore>, window_params = [{transform_indices = #map}, {transform_indices = #map1}, {transform_indices = #map1}, {transform_indices = #map}, {transform_indices = #map1}]} {
    %mul3A = arith.constant 16 : i32
    %mul3A_0 = arith.muli %arg0, %mul3A : i32
    %add3A = arith.addi %mul3A_0, %arg1 : i32
    %mul3A_1 = arith.constant 632 : i32
    %mul3A_2 = arith.muli %arg1, %mul3A_1 : i32
    "tpu.region"() ({
      %run_scoped3A = tpu.sem_alloc : memref<!tpu.dma_semaphore, #tpu.memory_space<semaphore_mem>>
      %dma_start3A_19 = arith.constant 0 : i32
      %dma_start3A_20 = tpu.memref_slice %arg11[%mul3A_2, %dma_start3A_19] : memref<10112x144xf32, #tpu.memory_space<vmem_shared>> -> memref<632x144xf32, #tpu.memory_space<vmem_shared>>
      tpu.enqueue_dma source(%arg5 : memref<632x144xf32, #tpu.memory_space<hbm>>) target(%dma_start3A_20 : memref<632x144xf32, #tpu.memory_space<vmem_shared>>) target_semaphore(%run_scoped3A : memref<!tpu.dma_semaphore, #tpu.memory_space<semaphore_mem>>)
      %dma_wait3A = arith.constant 0 : i32
      %dma_wait3A_21 = tpu.memref_slice %arg11[%mul3A_2, %dma_wait3A] : memref<10112x144xf32, #tpu.memory_space<vmem_shared>> -> memref<632x144xf32, #tpu.memory_space<vmem_shared>>
      tpu.wait_dma2 semaphore(%run_scoped3A : memref<!tpu.dma_semaphore, #tpu.memory_space<semaphore_mem>>) src(%arg5 : memref<632x144xf32, #tpu.memory_space<hbm>>) dst(%dma_wait3A_21 : memref<632x144xf32, #tpu.memory_space<vmem_shared>>)
      tpu.yield
    }) : () -> ()
    %barrier3A = arith.constant 0 : index
    tpu.barrier barrier_id(%barrier3A)
    "tpu.region"() ({
      %run_scoped3A = tpu.sem_alloc : memref<!tpu.dma_semaphore, #tpu.memory_space<semaphore_mem>>
      %dma_start3A_19 = arith.constant 0 : i32
      %dma_start3A_20 = arith.constant 0 : i32
      %dma_start3A_21 = tpu.memref_slice %arg3[%add3A, %dma_start3A_19, %dma_start3A_20] : memref<32x160x64xi32, #tpu.memory_space<hbm>> -> memref<1x160x64xi32, #tpu.memory_space<hbm>>
      %dma_start3A_22 = tpu.memref_squeeze %dma_start3A_21 : memref<1x160x64xi32, #tpu.memory_space<hbm>> -> memref<160x64xi32, #tpu.memory_space<hbm>>
      %dma_start3A_23 = arith.constant 0 : i32
      %dma_start3A_24 = arith.constant 0 : i32
      %dma_start3A_25 = tpu.memref_slice %arg3[%add3A, %dma_start3A_23, %dma_start3A_24] : memref<32x160x64xi32, #tpu.memory_space<hbm>> -> memref<1x160x64xi32, #tpu.memory_space<hbm>>
      %dma_start3A_26 = tpu.memref_squeeze %dma_start3A_25 : memref<1x160x64xi32, #tpu.memory_space<hbm>> -> memref<160x64xi32, #tpu.memory_space<hbm>>
      tpu.enqueue_dma source(%dma_start3A_26 : memref<160x64xi32, #tpu.memory_space<hbm>>) target(%arg7 : memref<160x64xi32, #tpu.memory_space<vmem>>) target_semaphore(%run_scoped3A : memref<!tpu.dma_semaphore, #tpu.memory_space<semaphore_mem>>)
      %dma_wait3A = arith.constant 0 : i32
      %dma_wait3A_27 = arith.constant 0 : i32
      %dma_wait3A_28 = tpu.memref_slice %arg3[%add3A, %dma_wait3A, %dma_wait3A_27] : memref<32x160x64xi32, #tpu.memory_space<hbm>> -> memref<1x160x64xi32, #tpu.memory_space<hbm>>
      %dma_wait3A_29 = tpu.memref_squeeze %dma_wait3A_28 : memref<1x160x64xi32, #tpu.memory_space<hbm>> -> memref<160x64xi32, #tpu.memory_space<hbm>>
      %dma_wait3A_30 = arith.constant 0 : i32
      %dma_wait3A_31 = arith.constant 0 : i32
      %dma_wait3A_32 = tpu.memref_slice %arg3[%add3A, %dma_wait3A_30, %dma_wait3A_31] : memref<32x160x64xi32, #tpu.memory_space<hbm>> -> memref<1x160x64xi32, #tpu.memory_space<hbm>>
      %dma_wait3A_33 = tpu.memref_squeeze %dma_wait3A_32 : memref<1x160x64xi32, #tpu.memory_space<hbm>> -> memref<160x64xi32, #tpu.memory_space<hbm>>
      tpu.wait_dma2 semaphore(%run_scoped3A : memref<!tpu.dma_semaphore, #tpu.memory_space<semaphore_mem>>) src(%dma_wait3A_33 : memref<160x64xi32, #tpu.memory_space<hbm>>) dst(%arg7 : memref<160x64xi32, #tpu.memory_space<vmem>>)
      tpu.yield
    }) : () -> ()
    "tpu.region"() ({
      %run_scoped3A = tpu.sem_alloc : memref<!tpu.dma_semaphore, #tpu.memory_space<semaphore_mem>>
      %dma_start3A_19 = arith.constant 0 : i32
      %dma_start3A_20 = arith.constant 0 : i32
      %dma_start3A_21 = tpu.memref_slice %arg4[%add3A, %dma_start3A_19, %dma_start3A_20] : memref<32x160x64xi32, #tpu.memory_space<hbm>> -> memref<1x160x64xi32, #tpu.memory_space<hbm>>
      %dma_start3A_22 = tpu.memref_squeeze %dma_start3A_21 : memref<1x160x64xi32, #tpu.memory_space<hbm>> -> memref<160x64xi32, #tpu.memory_space<hbm>>
      %dma_start3A_23 = arith.constant 0 : i32
      %dma_start3A_24 = arith.constant 0 : i32
      %dma_start3A_25 = tpu.memref_slice %arg4[%add3A, %dma_start3A_23, %dma_start3A_24] : memref<32x160x64xi32, #tpu.memory_space<hbm>> -> memref<1x160x64xi32, #tpu.memory_space<hbm>>
      %dma_start3A_26 = tpu.memref_squeeze %dma_start3A_25 : memref<1x160x64xi32, #tpu.memory_space<hbm>> -> memref<160x64xi32, #tpu.memory_space<hbm>>
      tpu.enqueue_dma source(%dma_start3A_26 : memref<160x64xi32, #tpu.memory_space<hbm>>) target(%arg8 : memref<160x64xi32, #tpu.memory_space<vmem>>) target_semaphore(%run_scoped3A : memref<!tpu.dma_semaphore, #tpu.memory_space<semaphore_mem>>)
      %dma_wait3A = arith.constant 0 : i32
      %dma_wait3A_27 = arith.constant 0 : i32
      %dma_wait3A_28 = tpu.memref_slice %arg4[%add3A, %dma_wait3A, %dma_wait3A_27] : memref<32x160x64xi32, #tpu.memory_space<hbm>> -> memref<1x160x64xi32, #tpu.memory_space<hbm>>
      %dma_wait3A_29 = tpu.memref_squeeze %dma_wait3A_28 : memref<1x160x64xi32, #tpu.memory_space<hbm>> -> memref<160x64xi32, #tpu.memory_space<hbm>>
      %dma_wait3A_30 = arith.constant 0 : i32
      %dma_wait3A_31 = arith.constant 0 : i32
      %dma_wait3A_32 = tpu.memref_slice %arg4[%add3A, %dma_wait3A_30, %dma_wait3A_31] : memref<32x160x64xi32, #tpu.memory_space<hbm>> -> memref<1x160x64xi32, #tpu.memory_space<hbm>>
      %dma_wait3A_33 = tpu.memref_squeeze %dma_wait3A_32 : memref<1x160x64xi32, #tpu.memory_space<hbm>> -> memref<160x64xi32, #tpu.memory_space<hbm>>
      tpu.wait_dma2 semaphore(%run_scoped3A : memref<!tpu.dma_semaphore, #tpu.memory_space<semaphore_mem>>) src(%dma_wait3A_33 : memref<160x64xi32, #tpu.memory_space<hbm>>) dst(%arg8 : memref<160x64xi32, #tpu.memory_space<vmem>>)
      tpu.yield
    }) : () -> ()
    %dma_start3A = arith.constant 0 : i32
    %dma_start3A_3 = arith.constant 0 : i32
    %dma_start3A_4 = tpu.memref_slice %arg7[%dma_start3A, %dma_start3A_3] : memref<160x64xi32, #tpu.memory_space<vmem>> -> memref<1x64xi32, #tpu.memory_space<vmem>>
    %dma_start3A_5 = tpu.memref_squeeze %dma_start3A_4 : memref<1x64xi32, #tpu.memory_space<vmem>> -> memref<64xi32, #tpu.memory_space<vmem>>
    %dma_start3A_6 = arith.constant 0 : i32
    %dma_start3A_7 = arith.constant 0 : i32
    %dma_start3A_8 = tpu.memref_slice %arg2[%dma_start3A_6, %dma_start3A_7] : memref<10112x144xf32, #tpu.memory_space<hbm>> -> memref<10112x144xf32, #tpu.memory_space<hbm>>
    tpu.enqueue_indirect_dma source(%dma_start3A_8 : memref<10112x144xf32, #tpu.memory_space<hbm>>) target(%arg9 : memref<64x144xf32, #tpu.memory_space<vmem>>) offsets(%dma_start3A_5 : memref<64xi32, #tpu.memory_space<vmem>>) semaphore(%arg12 : memref<!tpu.dma_semaphore, #tpu.memory_space<semaphore_mem>>)
    %scan3A = arith.constant 0 : i32
    %scan3A_9 = arith.constant 0 : i32
    %scan3A_10 = arith.constant 80 : i32
    %scan3A_11 = arith.addi %scan3A_9, %scan3A_10 : i32
    %scan3A_12 = arith.constant 1 : i32
    scf.for %scan3A_19 = %scan3A_9 to %scan3A_11 step %scan3A_12  : i32 {
      %mul3A_20 = arith.constant 2 : i32
      %mul3A_21 = arith.muli %scan3A_19, %mul3A_20 : i32
      %add3A_22 = arith.constant 1 : i32
      %add3A_23 = arith.addi %mul3A_21, %add3A_22 : i32
      %dma_start3A_24 = arith.constant 0 : i32
      %dma_start3A_25 = tpu.memref_slice %arg7[%add3A_23, %dma_start3A_24] : memref<160x64xi32, #tpu.memory_space<vmem>> -> memref<1x64xi32, #tpu.memory_space<vmem>>
      %dma_start3A_26 = tpu.memref_squeeze %dma_start3A_25 : memref<1x64xi32, #tpu.memory_space<vmem>> -> memref<64xi32, #tpu.memory_space<vmem>>
      %dma_start3A_27 = arith.constant 0 : i32
      %dma_start3A_28 = arith.constant 0 : i32
      %dma_start3A_29 = tpu.memref_slice %arg2[%dma_start3A_27, %dma_start3A_28] : memref<10112x144xf32, #tpu.memory_space<hbm>> -> memref<10112x144xf32, #tpu.memory_space<hbm>>
      tpu.enqueue_indirect_dma source(%dma_start3A_29 : memref<10112x144xf32, #tpu.memory_space<hbm>>) target(%arg10 : memref<64x144xf32, #tpu.memory_space<vmem>>) offsets(%dma_start3A_26 : memref<64xi32, #tpu.memory_space<vmem>>) semaphore(%arg13 : memref<!tpu.dma_semaphore, #tpu.memory_space<semaphore_mem>>)
      %dma_wait3A = arith.constant 0 : i32
      %dma_wait3A_30 = tpu.memref_slice %arg7[%mul3A_21, %dma_wait3A] : memref<160x64xi32, #tpu.memory_space<vmem>> -> memref<1x64xi32, #tpu.memory_space<vmem>>
      %dma_wait3A_31 = tpu.memref_squeeze %dma_wait3A_30 : memref<1x64xi32, #tpu.memory_space<vmem>> -> memref<64xi32, #tpu.memory_space<vmem>>
      %dma_wait3A_32 = arith.constant 0 : i32
      %dma_wait3A_33 = arith.constant 0 : i32
      %dma_wait3A_34 = tpu.memref_slice %arg2[%dma_wait3A_32, %dma_wait3A_33] : memref<10112x144xf32, #tpu.memory_space<hbm>> -> memref<10112x144xf32, #tpu.memory_space<hbm>>
      tpu.wait_indirect_dma semaphore(%arg12 : memref<!tpu.dma_semaphore, #tpu.memory_space<semaphore_mem>>) src(%dma_wait3A_34 : memref<10112x144xf32, #tpu.memory_space<hbm>>) dst(%arg9 : memref<64x144xf32, #tpu.memory_space<vmem>>)
      "tpu.region"() ({
        %run_scoped3A = tpu.sem_alloc : memref<!tpu.dma_semaphore, #tpu.memory_space<semaphore_mem>>
        %dma_start3A_43 = arith.constant 0 : i32
        %dma_start3A_44 = tpu.memref_slice %arg8[%mul3A_21, %dma_start3A_43] : memref<160x64xi32, #tpu.memory_space<vmem>> -> memref<1x64xi32, #tpu.memory_space<vmem>>
        %dma_start3A_45 = tpu.memref_squeeze %dma_start3A_44 : memref<1x64xi32, #tpu.memory_space<vmem>> -> memref<64xi32, #tpu.memory_space<vmem>>
        %dma_start3A_46 = arith.constant 0 : i32
        %dma_start3A_47 = arith.constant 0 : i32
        %dma_start3A_48 = tpu.memref_slice %arg11[%dma_start3A_46, %dma_start3A_47] : memref<10112x144xf32, #tpu.memory_space<vmem_shared>> -> memref<10112x144xf32, #tpu.memory_space<vmem_shared>>
        tpu.enqueue_indirect_dma source(%arg9 : memref<64x144xf32, #tpu.memory_space<vmem>>) target(%dma_start3A_48 : memref<10112x144xf32, #tpu.memory_space<vmem_shared>>) offsets(%dma_start3A_45 : memref<64xi32, #tpu.memory_space<vmem>>) semaphore(%run_scoped3A : memref<!tpu.dma_semaphore, #tpu.memory_space<semaphore_mem>>) {add = true}
        %dma_wait3A_49 = arith.constant 0 : i32
        %dma_wait3A_50 = tpu.memref_slice %arg8[%mul3A_21, %dma_wait3A_49] : memref<160x64xi32, #tpu.memory_space<vmem>> -> memref<1x64xi32, #tpu.memory_space<vmem>>
        %dma_wait3A_51 = tpu.memref_squeeze %dma_wait3A_50 : memref<1x64xi32, #tpu.memory_space<vmem>> -> memref<64xi32, #tpu.memory_space<vmem>>
        %dma_wait3A_52 = arith.constant 0 : i32
        %dma_wait3A_53 = arith.constant 0 : i32
        %dma_wait3A_54 = tpu.memref_slice %arg11[%dma_wait3A_52, %dma_wait3A_53] : memref<10112x144xf32, #tpu.memory_space<vmem_shared>> -> memref<10112x144xf32, #tpu.memory_space<vmem_shared>>
        tpu.wait_indirect_dma semaphore(%run_scoped3A : memref<!tpu.dma_semaphore, #tpu.memory_space<semaphore_mem>>) src(%arg9 : memref<64x144xf32, #tpu.memory_space<vmem>>) dst(%dma_wait3A_54 : memref<10112x144xf32, #tpu.memory_space<vmem_shared>>)
        tpu.yield
      }) : () -> ()
      %lt3A = arith.constant 79 : i32
      %lt3A_35 = arith.cmpi slt, %scan3A_19, %lt3A : i32
      %convert_element_type3A = arith.extui %lt3A_35 : i1 to i32
      %cond3A = arith.constant 0 : i32
      %cond3A_36 = arith.cmpi ne, %convert_element_type3A, %cond3A : i32
      scf.if %cond3A_36 {
        %add3A_43 = arith.constant 2 : i32
        %add3A_44 = arith.addi %mul3A_21, %add3A_43 : i32
        %dma_start3A_45 = arith.constant 0 : i32
        %dma_start3A_46 = tpu.memref_slice %arg7[%add3A_44, %dma_start3A_45] : memref<160x64xi32, #tpu.memory_space<vmem>> -> memref<1x64xi32, #tpu.memory_space<vmem>>
        %dma_start3A_47 = tpu.memref_squeeze %dma_start3A_46 : memref<1x64xi32, #tpu.memory_space<vmem>> -> memref<64xi32, #tpu.memory_space<vmem>>
        %dma_start3A_48 = arith.constant 0 : i32
        %dma_start3A_49 = arith.constant 0 : i32
        %dma_start3A_50 = tpu.memref_slice %arg2[%dma_start3A_48, %dma_start3A_49] : memref<10112x144xf32, #tpu.memory_space<hbm>> -> memref<10112x144xf32, #tpu.memory_space<hbm>>
        tpu.enqueue_indirect_dma source(%dma_start3A_50 : memref<10112x144xf32, #tpu.memory_space<hbm>>) target(%arg9 : memref<64x144xf32, #tpu.memory_space<vmem>>) offsets(%dma_start3A_47 : memref<64xi32, #tpu.memory_space<vmem>>) semaphore(%arg12 : memref<!tpu.dma_semaphore, #tpu.memory_space<semaphore_mem>>)
      } else {
      }
      %dma_wait3A_37 = arith.constant 0 : i32
      %dma_wait3A_38 = tpu.memref_slice %arg7[%add3A_23, %dma_wait3A_37] : memref<160x64xi32, #tpu.memory_space<vmem>> -> memref<1x64xi32, #tpu.memory_space<vmem>>
      %dma_wait3A_39 = tpu.memref_squeeze %dma_wait3A_38 : memref<1x64xi32, #tpu.memory_space<vmem>> -> memref<64xi32, #tpu.memory_space<vmem>>
      %dma_wait3A_40 = arith.constant 0 : i32
      %dma_wait3A_41 = arith.constant 0 : i32
      %dma_wait3A_42 = tpu.memref_slice %arg2[%dma_wait3A_40, %dma_wait3A_41] : memref<10112x144xf32, #tpu.memory_space<hbm>> -> memref<10112x144xf32, #tpu.memory_space<hbm>>
      tpu.wait_indirect_dma semaphore(%arg13 : memref<!tpu.dma_semaphore, #tpu.memory_space<semaphore_mem>>) src(%dma_wait3A_42 : memref<10112x144xf32, #tpu.memory_space<hbm>>) dst(%arg10 : memref<64x144xf32, #tpu.memory_space<vmem>>)
      "tpu.region"() ({
        %run_scoped3A = tpu.sem_alloc : memref<!tpu.dma_semaphore, #tpu.memory_space<semaphore_mem>>
        %dma_start3A_43 = arith.constant 0 : i32
        %dma_start3A_44 = tpu.memref_slice %arg8[%add3A_23, %dma_start3A_43] : memref<160x64xi32, #tpu.memory_space<vmem>> -> memref<1x64xi32, #tpu.memory_space<vmem>>
        %dma_start3A_45 = tpu.memref_squeeze %dma_start3A_44 : memref<1x64xi32, #tpu.memory_space<vmem>> -> memref<64xi32, #tpu.memory_space<vmem>>
        %dma_start3A_46 = arith.constant 0 : i32
        %dma_start3A_47 = arith.constant 0 : i32
        %dma_start3A_48 = tpu.memref_slice %arg11[%dma_start3A_46, %dma_start3A_47] : memref<10112x144xf32, #tpu.memory_space<vmem_shared>> -> memref<10112x144xf32, #tpu.memory_space<vmem_shared>>
        tpu.enqueue_indirect_dma source(%arg10 : memref<64x144xf32, #tpu.memory_space<vmem>>) target(%dma_start3A_48 : memref<10112x144xf32, #tpu.memory_space<vmem_shared>>) offsets(%dma_start3A_45 : memref<64xi32, #tpu.memory_space<vmem>>) semaphore(%run_scoped3A : memref<!tpu.dma_semaphore, #tpu.memory_space<semaphore_mem>>) {add = true}
        %dma_wait3A_49 = arith.constant 0 : i32
        %dma_wait3A_50 = tpu.memref_slice %arg8[%add3A_23, %dma_wait3A_49] : memref<160x64xi32, #tpu.memory_space<vmem>> -> memref<1x64xi32, #tpu.memory_space<vmem>>
        %dma_wait3A_51 = tpu.memref_squeeze %dma_wait3A_50 : memref<1x64xi32, #tpu.memory_space<vmem>> -> memref<64xi32, #tpu.memory_space<vmem>>
        %dma_wait3A_52 = arith.constant 0 : i32
        %dma_wait3A_53 = arith.constant 0 : i32
        %dma_wait3A_54 = tpu.memref_slice %arg11[%dma_wait3A_52, %dma_wait3A_53] : memref<10112x144xf32, #tpu.memory_space<vmem_shared>> -> memref<10112x144xf32, #tpu.memory_space<vmem_shared>>
        tpu.wait_indirect_dma semaphore(%run_scoped3A : memref<!tpu.dma_semaphore, #tpu.memory_space<semaphore_mem>>) src(%arg10 : memref<64x144xf32, #tpu.memory_space<vmem>>) dst(%dma_wait3A_54 : memref<10112x144xf32, #tpu.memory_space<vmem_shared>>)
        tpu.yield
      }) : () -> ()
    }
    %scan3A_13 = arith.constant 80 : i32
    %barrier3A_14 = arith.constant 0 : index
    tpu.barrier barrier_id(%barrier3A_14)
    %mul3A_15 = arith.constant 632 : i32
    %mul3A_16 = arith.muli %arg1, %mul3A_15 : i32
    %mul3A_17 = arith.constant 632 : i32
    %mul3A_18 = arith.muli %arg1, %mul3A_17 : i32
    "tpu.region"() ({
      %run_scoped3A = tpu.sem_alloc : memref<!tpu.dma_semaphore, #tpu.memory_space<semaphore_mem>>
      %dma_start3A_19 = arith.constant 0 : i32
      %dma_start3A_20 = tpu.memref_slice %arg6[%arg0, %mul3A_18, %dma_start3A_19] : memref<2x10112x144xf32, #tpu.memory_space<hbm>> -> memref<1x632x144xf32, #tpu.memory_space<hbm>>
      %dma_start3A_21 = tpu.memref_squeeze %dma_start3A_20 : memref<1x632x144xf32, #tpu.memory_space<hbm>> -> memref<632x144xf32, #tpu.memory_space<hbm>>
      %dma_start3A_22 = arith.constant 0 : i32
      %dma_start3A_23 = tpu.memref_slice %arg11[%mul3A_16, %dma_start3A_22] : memref<10112x144xf32, #tpu.memory_space<vmem_shared>> -> memref<632x144xf32, #tpu.memory_space<vmem_shared>>
      tpu.enqueue_dma source(%dma_start3A_23 : memref<632x144xf32, #tpu.memory_space<vmem_shared>>) target(%dma_start3A_21 : memref<632x144xf32, #tpu.memory_space<hbm>>) target_semaphore(%run_scoped3A : memref<!tpu.dma_semaphore, #tpu.memory_space<semaphore_mem>>)
      %dma_wait3A = arith.constant 0 : i32
      %dma_wait3A_24 = tpu.memref_slice %arg6[%arg0, %mul3A_18, %dma_wait3A] : memref<2x10112x144xf32, #tpu.memory_space<hbm>> -> memref<1x632x144xf32, #tpu.memory_space<hbm>>
      %dma_wait3A_25 = tpu.memref_squeeze %dma_wait3A_24 : memref<1x632x144xf32, #tpu.memory_space<hbm>> -> memref<632x144xf32, #tpu.memory_space<hbm>>
      %dma_wait3A_26 = arith.constant 0 : i32
      %dma_wait3A_27 = tpu.memref_slice %arg11[%mul3A_16, %dma_wait3A_26] : memref<10112x144xf32, #tpu.memory_space<vmem_shared>> -> memref<632x144xf32, #tpu.memory_space<vmem_shared>>
      tpu.wait_dma2 semaphore(%run_scoped3A : memref<!tpu.dma_semaphore, #tpu.memory_space<semaphore_mem>>) src(%dma_wait3A_27 : memref<632x144xf32, #tpu.memory_space<vmem_shared>>) dst(%dma_wait3A_25 : memref<632x144xf32, #tpu.memory_space<hbm>>)
      tpu.yield
    }) : () -> ()
    return
  }
}

module attributes {stable_mosaic.version = 14 : i64} {
  func.func @_stage1_body(%arg0: i32, %arg1: memref<128x128xf32, #tpu.memory_space<vmem>>, %arg2: memref<128x128xf32, #tpu.memory_space<vmem>>, %arg3: memref<128x8xf32, #tpu.memory_space<vmem>>, %arg4: memref<128x1xi32, #tpu.memory_space<vmem>>, %arg5: memref<128x144xf32, #tpu.memory_space<vmem>>) attributes {dimension_semantics = [#tpu.dimension_semantics<arbitrary>], iteration_bounds = array<i64: 79>, scalar_prefetch = 0 : i64, scratch_operands = 0 : i64, tpu.core_type = #tpu.core_type<tc>, window_params = [{transform_indices = @transform_0, window_bounds = array<i64: 128, 128>}, {pipeline_mode = #tpu.pipeline_mode<synchronous>, transform_indices = @transform_1, window_bounds = array<i64: 128, 128>}, {pipeline_mode = #tpu.pipeline_mode<synchronous>, transform_indices = @transform_2, window_bounds = array<i64: 128, 8>}, {transform_indices = @transform_3, window_bounds = array<i64: 128, 1>}, {transform_indices = @transform_4, window_bounds = array<i64: 128, 144>}]} {
    %get3A = arith.constant 0 : index
    %get3A_0 = arith.constant 0 : index
    %get3A_1 = vector.load %arg1[%get3A, %get3A_0] : memref<128x128xf32, #tpu.memory_space<vmem>>, vector<128x128xf32>
    %reduce_sum3A = arith.constant dense<0.000000e+00> : vector<128xf32>
    %reduce_sum3A_2 = vector.multi_reduction <add>, %get3A_1, %reduce_sum3A [1] : vector<128x128xf32> to vector<128xf32>
    %broadcast_in_dim3A = vector.shape_cast %reduce_sum3A_2 : vector<128xf32> to vector<128x1xf32>
    %div3A = arith.constant 1.280000e+02 : f32
    %div3A_3 = vector.broadcast %div3A : f32 to vector<128x1xf32>
    %div3A_4 = arith.divf %broadcast_in_dim3A, %div3A_3 : vector<128x1xf32>
    %sub3A = vector.broadcast %div3A_4 : vector<128x1xf32> to vector<128x128xf32>
    %sub3A_5 = arith.subf %get3A_1, %sub3A : vector<128x128xf32>
    %integer_pow3A = arith.mulf %sub3A_5, %sub3A_5 : vector<128x128xf32>
    %reduce_sum3A_6 = arith.constant dense<0.000000e+00> : vector<128xf32>
    %reduce_sum3A_7 = vector.multi_reduction <add>, %integer_pow3A, %reduce_sum3A_6 [1] : vector<128x128xf32> to vector<128xf32>
    %broadcast_in_dim3A_8 = vector.shape_cast %reduce_sum3A_7 : vector<128xf32> to vector<128x1xf32>
    %div3A_9 = arith.constant 1.280000e+02 : f32
    %div3A_10 = vector.broadcast %div3A_9 : f32 to vector<128x1xf32>
    %div3A_11 = arith.divf %broadcast_in_dim3A_8, %div3A_10 : vector<128x1xf32>
    %sub3A_12 = vector.broadcast %div3A_4 : vector<128x1xf32> to vector<128x128xf32>
    %sub3A_13 = arith.subf %get3A_1, %sub3A_12 : vector<128x128xf32>
    %add3A = arith.constant 9.99999974E-6 : f32
    %add3A_14 = vector.broadcast %add3A : f32 to vector<128x1xf32>
    %add3A_15 = arith.addf %div3A_11, %add3A_14 : vector<128x1xf32>
    %rsqrt3A = math.rsqrt %add3A_15 : vector<128x1xf32>
    %mul3A = vector.broadcast %rsqrt3A : vector<128x1xf32> to vector<128x128xf32>
    %mul3A_16 = arith.mulf %sub3A_13, %mul3A : vector<128x128xf32>
    %get3A_17 = arith.constant 0 : index
    %get3A_18 = arith.constant 0 : index
    %get3A_19 = vector.load %arg2[%get3A_17, %get3A_18] : memref<128x128xf32, #tpu.memory_space<vmem>>, vector<128x128xf32>
    %dot_general3A = arith.constant dense<0.000000e+00> : vector<128x128xf32>
    %dot_general3A_20 = tpu.matmul %mul3A_16, %get3A_19, %dot_general3A {dimension_numbers = #tpu.dot_dimension_numbers<[1], [0], [0], [1], [0, 0, 1, 1], [], []>, transpose_lhs_hint = false} : vector<128x128xf32>, vector<128x128xf32>, vector<128x128xf32> -> vector<128x128xf32>
    %get3A_21 = arith.constant 0 : index
    %get3A_22 = arith.constant 0 : index
    %get3A_23 = vector.load %arg3[%get3A_21, %get3A_22] : memref<128x8xf32, #tpu.memory_space<vmem>>, vector<128x8xf32>
    %dot_general3A_24 = arith.constant dense<0.000000e+00> : vector<128x8xf32>
    %dot_general3A_25 = tpu.matmul %dot_general3A_20, %get3A_23, %dot_general3A_24 {dimension_numbers = #tpu.dot_dimension_numbers<[1], [0], [0], [1], [0, 0, 1, 1], [], []>, transpose_lhs_hint = false} : vector<128x128xf32>, vector<128x8xf32>, vector<128x8xf32> -> vector<128x8xf32>
    %get3A_26 = arith.constant 0 : index
    %get3A_27 = arith.constant 0 : index
    %get3A_28 = vector.load %arg4[%get3A_26, %get3A_27] : memref<128x1xi32, #tpu.memory_space<vmem>>, vector<128x1xi32>
    %iota3A = tpu.iota {dimensions = array<i32: 1>} : vector<128x8xi32>
    %eq3A = vector.broadcast %get3A_28 : vector<128x1xi32> to vector<128x8xi32>
    %eq3A_29 = arith.cmpi eq, %iota3A, %eq3A : vector<128x8xi32>
    %convert_element_type3A = arith.extui %eq3A_29 : vector<128x8xi1> to vector<128x8xi32>
    %convert_element_type3A_30 = arith.sitofp %convert_element_type3A : vector<128x8xi32> to vector<128x8xf32>
    %mul3A_31 = arith.mulf %dot_general3A_25, %convert_element_type3A_30 : vector<128x8xf32>
    %reduce_sum3A_32 = arith.constant dense<0.000000e+00> : vector<128xf32>
    %reduce_sum3A_33 = vector.multi_reduction <add>, %mul3A_31, %reduce_sum3A_32 [1] : vector<128x8xf32> to vector<128xf32>
    %broadcast_in_dim3A_34 = vector.shape_cast %reduce_sum3A_33 : vector<128xf32> to vector<128x1xf32>
    %mul3A_35 = arith.constant 128 : i32
    %mul3A_36 = arith.muli %arg0, %mul3A_35 : i32
    %iota3A_37 = tpu.iota {dimensions = array<i32: 0>} : vector<128x1xi32>
    %add3A_38 = vector.broadcast %mul3A_36 : i32 to vector<128x1xi32>
    %add3A_39 = arith.addi %add3A_38, %iota3A_37 : vector<128x1xi32>
    %lt3A = arith.constant 10000 : i32
    %lt3A_40 = vector.broadcast %lt3A : i32 to vector<128x1xi32>
    %lt3A_41 = arith.cmpi slt, %add3A_39, %lt3A_40 : vector<128x1xi32>
    %exp3A = math.exp %broadcast_in_dim3A_34 : vector<128x1xf32>
    %jit3A = arith.constant 0.000000e+00 : f32
    %broadcast_in_dim3A_42 = vector.broadcast %jit3A : f32 to vector<128x1xf32>
    %select_n3A = arith.select %lt3A_41, %exp3A, %broadcast_in_dim3A_42 : vector<128x1xi1>, vector<128x1xf32>
    %mul3A_43 = vector.broadcast %select_n3A : vector<128x1xf32> to vector<128x128xf32>
    %mul3A_44 = arith.mulf %mul3A_43, %dot_general3A_20 : vector<128x128xf32>
    %broadcast_in_dim3A_45 = arith.constant 0.000000e+00 : f32
    %broadcast_in_dim3A_46 = vector.broadcast %broadcast_in_dim3A_45 : f32 to vector<128x15xf32>
    %concatenate3A = tpu.concatenate %mul3A_44, %select_n3A, %broadcast_in_dim3A_46 in 1 : vector<128x128xf32>, vector<128x1xf32>, vector<128x15xf32> -> vector<128x144xf32>
    %swap3A = arith.constant 0 : index
    %swap3A_47 = arith.constant 0 : index
    %swap3A_48 = vector.load %arg5[%swap3A, %swap3A_47] : memref<128x144xf32, #tpu.memory_space<vmem>>, vector<128x144xf32>
    tpu.vector_store %arg5[%swap3A, %swap3A_47], %concatenate3A {strides = array<i32>} : memref<128x144xf32, #tpu.memory_space<vmem>>, vector<128x144xf32>,
    return
  }
  func.func @transform_0(%arg0: i32) -> (i32, i32) {
    %c0_i32 = arith.constant 0 : i32
    %c0_i32_0 = arith.constant 0 : i32
    return %arg0, %c0_i32 : i32, i32
  }
  func.func @transform_1(%arg0: i32) -> (i32, i32) {
    %c0_i32 = arith.constant 0 : i32
    %c0_i32_0 = arith.constant 0 : i32
    %c0_i32_1 = arith.constant 0 : i32
    return %c0_i32, %c0_i32_0 : i32, i32
  }
  func.func @transform_2(%arg0: i32) -> (i32, i32) {
    %c0_i32 = arith.constant 0 : i32
    %c0_i32_0 = arith.constant 0 : i32
    %c0_i32_1 = arith.constant 0 : i32
    return %c0_i32, %c0_i32_0 : i32, i32
  }
  func.func @transform_3(%arg0: i32) -> (i32, i32) {
    %c0_i32 = arith.constant 0 : i32
    %c0_i32_0 = arith.constant 0 : i32
    return %arg0, %c0_i32 : i32, i32
  }
  func.func @transform_4(%arg0: i32) -> (i32, i32) {
    %c0_i32 = arith.constant 0 : i32
    %c0_i32_0 = arith.constant 0 : i32
    return %arg0, %c0_i32 : i32, i32
  }
}

module attributes {stable_mosaic.version = 14 : i64} {
  func.func @_stage2_body(%arg0: i32, %arg1: memref<1x128x144xf32, #tpu.memory_space<vmem>>, %arg2: memref<1x128x144xf32, #tpu.memory_space<vmem>>, %arg3: memref<128x8xf32, #tpu.memory_space<vmem>>, %arg4: memref<128x128xf32, #tpu.memory_space<vmem>>, %arg5: memref<128x1xf32, #tpu.memory_space<vmem>>, %arg6: memref<128x1xf32, #tpu.memory_space<vmem>>) attributes {dimension_semantics = [#tpu.dimension_semantics<arbitrary>], iteration_bounds = array<i64: 79>, scalar_prefetch = 0 : i64, scratch_operands = 0 : i64, tpu.core_type = #tpu.core_type<tc>, window_params = [{transform_indices = @transform_0, window_bounds = array<i64: 1, 128, 144>}, {transform_indices = @transform_1, window_bounds = array<i64: 1, 128, 144>}, {pipeline_mode = #tpu.pipeline_mode<synchronous>, transform_indices = @transform_2, window_bounds = array<i64: 128, 8>}, {transform_indices = @transform_3, window_bounds = array<i64: 128, 128>}, {transform_indices = @transform_4, window_bounds = array<i64: 128, 1>}, {transform_indices = @transform_5, window_bounds = array<i64: 128, 1>}]} {
    %get3A = arith.constant 0 : index
    %get3A_0 = arith.constant 0 : index
    %get3A_1 = arith.constant 0 : index
    %get3A_2 = vector.load %arg1[%get3A, %get3A_0, %get3A_1] : memref<1x128x144xf32, #tpu.memory_space<vmem>>, vector<1x128x144xf32>
    %get3A_3 = vector.shape_cast %get3A_2 : vector<1x128x144xf32> to vector<128x144xf32>
    %get3A_4 = arith.constant 0 : index
    %get3A_5 = arith.constant 0 : index
    %get3A_6 = arith.constant 0 : index
    %get3A_7 = vector.load %arg2[%get3A_4, %get3A_5, %get3A_6] : memref<1x128x144xf32, #tpu.memory_space<vmem>>, vector<1x128x144xf32>
    %get3A_8 = vector.shape_cast %get3A_7 : vector<1x128x144xf32> to vector<128x144xf32>
    %add3A = arith.addf %get3A_3, %get3A_8 : vector<128x144xf32>
    %slice3A = vector.extract_strided_slice %add3A {offsets = [0, 0], sizes = [128, 128], strides = [1, 1]} : vector<128x144xf32> to vector<128x128xf32>
    %slice3A_9 = vector.extract_strided_slice %add3A {offsets = [0, 128], sizes = [128, 1], strides = [1, 1]} : vector<128x144xf32> to vector<128x1xf32>
    %add3A_10 = arith.constant 1.000000e-16 : f32
    %add3A_11 = vector.broadcast %add3A_10 : f32 to vector<128x1xf32>
    %add3A_12 = arith.addf %slice3A_9, %add3A_11 : vector<128x1xf32>
    %div3A = vector.broadcast %add3A_12 : vector<128x1xf32> to vector<128x128xf32>
    %div3A_13 = arith.divf %slice3A, %div3A : vector<128x128xf32>
    %max3A = arith.constant 0.000000e+00 : f32
    %max3A_14 = vector.broadcast %max3A : f32 to vector<128x128xf32>
    %max3A_15 = arith.maximumf %div3A_13, %max3A_14 : vector<128x128xf32>
    %reduce_sum3A = arith.constant dense<0.000000e+00> : vector<128xf32>
    %reduce_sum3A_16 = vector.multi_reduction <add>, %max3A_15, %reduce_sum3A [1] : vector<128x128xf32> to vector<128xf32>
    %broadcast_in_dim3A = vector.shape_cast %reduce_sum3A_16 : vector<128xf32> to vector<128x1xf32>
    %div3A_17 = arith.constant 1.280000e+02 : f32
    %div3A_18 = vector.broadcast %div3A_17 : f32 to vector<128x1xf32>
    %div3A_19 = arith.divf %broadcast_in_dim3A, %div3A_18 : vector<128x1xf32>
    %sub3A = vector.broadcast %div3A_19 : vector<128x1xf32> to vector<128x128xf32>
    %sub3A_20 = arith.subf %max3A_15, %sub3A : vector<128x128xf32>
    %integer_pow3A = arith.mulf %sub3A_20, %sub3A_20 : vector<128x128xf32>
    %reduce_sum3A_21 = arith.constant dense<0.000000e+00> : vector<128xf32>
    %reduce_sum3A_22 = vector.multi_reduction <add>, %integer_pow3A, %reduce_sum3A_21 [1] : vector<128x128xf32> to vector<128xf32>
    %broadcast_in_dim3A_23 = vector.shape_cast %reduce_sum3A_22 : vector<128xf32> to vector<128x1xf32>
    %div3A_24 = arith.constant 1.280000e+02 : f32
    %div3A_25 = vector.broadcast %div3A_24 : f32 to vector<128x1xf32>
    %div3A_26 = arith.divf %broadcast_in_dim3A_23, %div3A_25 : vector<128x1xf32>
    %sub3A_27 = vector.broadcast %div3A_19 : vector<128x1xf32> to vector<128x128xf32>
    %sub3A_28 = arith.subf %max3A_15, %sub3A_27 : vector<128x128xf32>
    %add3A_29 = arith.constant 9.99999974E-6 : f32
    %add3A_30 = vector.broadcast %add3A_29 : f32 to vector<128x1xf32>
    %add3A_31 = arith.addf %div3A_26, %add3A_30 : vector<128x1xf32>
    %rsqrt3A = math.rsqrt %add3A_31 : vector<128x1xf32>
    %mul3A = vector.broadcast %rsqrt3A : vector<128x1xf32> to vector<128x128xf32>
    %mul3A_32 = arith.mulf %sub3A_28, %mul3A : vector<128x128xf32>
    %get3A_33 = arith.constant 0 : index
    %get3A_34 = arith.constant 0 : index
    %get3A_35 = vector.load %arg3[%get3A_33, %get3A_34] : memref<128x8xf32, #tpu.memory_space<vmem>>, vector<128x8xf32>
    %dot_general3A = arith.constant dense<0.000000e+00> : vector<128x8xf32>
    %dot_general3A_36 = tpu.matmul %mul3A_32, %get3A_35, %dot_general3A {dimension_numbers = #tpu.dot_dimension_numbers<[1], [0], [0], [1], [0, 0, 1, 1], [], []>, transpose_lhs_hint = false} : vector<128x128xf32>, vector<128x8xf32>, vector<128x8xf32> -> vector<128x8xf32>
    %tanh3A = math.tanh %dot_general3A_36 : vector<128x8xf32>
    %slice3A_37 = vector.extract_strided_slice %tanh3A {offsets = [0, 0], sizes = [128, 1], strides = [1, 1]} : vector<128x8xf32> to vector<128x1xf32>
    %swap3A = arith.constant 0 : index
    %swap3A_38 = arith.constant 0 : index
    %swap3A_39 = vector.load %arg4[%swap3A, %swap3A_38] : memref<128x128xf32, #tpu.memory_space<vmem>>, vector<128x128xf32>
    tpu.vector_store %arg4[%swap3A, %swap3A_38], %mul3A_32 {strides = array<i32>} : memref<128x128xf32, #tpu.memory_space<vmem>>, vector<128x128xf32>,
    %swap3A_40 = arith.constant 0 : index
    %swap3A_41 = arith.constant 0 : index
    %swap3A_42 = vector.load %arg5[%swap3A_40, %swap3A_41] : memref<128x1xf32, #tpu.memory_space<vmem>>, vector<128x1xf32>
    tpu.vector_store %arg5[%swap3A_40, %swap3A_41], %slice3A_37 {strides = array<i32>} : memref<128x1xf32, #tpu.memory_space<vmem>>, vector<128x1xf32>,
    %mul3A_43 = arith.constant 128 : i32
    %mul3A_44 = arith.muli %arg0, %mul3A_43 : i32
    %iota3A = tpu.iota {dimensions = array<i32: 0>} : vector<128x1xi32>
    %add3A_45 = vector.broadcast %mul3A_44 : i32 to vector<128x1xi32>
    %add3A_46 = arith.addi %add3A_45, %iota3A : vector<128x1xi32>
    %lt3A = arith.constant 10000 : i32
    %lt3A_47 = vector.broadcast %lt3A : i32 to vector<128x1xi32>
    %lt3A_48 = arith.cmpi slt, %add3A_46, %lt3A_47 : vector<128x1xi32>
    %jit3A = arith.constant 0xFF800000 : f32
    %broadcast_in_dim3A_49 = vector.broadcast %jit3A : f32 to vector<128x1xf32>
    %select_n3A = arith.select %lt3A_48, %slice3A_37, %broadcast_in_dim3A_49 : vector<128x1xi1>, vector<128x1xf32>
    %swap3A_50 = arith.constant 0 : index
    %swap3A_51 = arith.constant 0 : index
    %swap3A_52 = vector.load %arg6[%swap3A_50, %swap3A_51] : memref<128x1xf32, #tpu.memory_space<vmem>>, vector<128x1xf32>
    tpu.vector_store %arg6[%swap3A_50, %swap3A_51], %select_n3A {strides = array<i32>} : memref<128x1xf32, #tpu.memory_space<vmem>>, vector<128x1xf32>,
    return
  }
  func.func @transform_0(%arg0: i32) -> (i32, i32, i32) {
    %c0_i32 = arith.constant 0 : i32
    %c0_i32_0 = arith.constant 0 : i32
    %c0_i32_1 = arith.constant 0 : i32
    return %c0_i32, %arg0, %c0_i32_0 : i32, i32, i32
  }
  func.func @transform_1(%arg0: i32) -> (i32, i32, i32) {
    %c1_i32 = arith.constant 1 : i32
    %c0_i32 = arith.constant 0 : i32
    %c0_i32_0 = arith.constant 0 : i32
    return %c1_i32, %arg0, %c0_i32 : i32, i32, i32
  }
  func.func @transform_2(%arg0: i32) -> (i32, i32) {
    %c0_i32 = arith.constant 0 : i32
    %c0_i32_0 = arith.constant 0 : i32
    %c0_i32_1 = arith.constant 0 : i32
    return %c0_i32, %c0_i32_0 : i32, i32
  }
  func.func @transform_3(%arg0: i32) -> (i32, i32) {
    %c0_i32 = arith.constant 0 : i32
    %c0_i32_0 = arith.constant 0 : i32
    return %arg0, %c0_i32 : i32, i32
  }
  func.func @transform_4(%arg0: i32) -> (i32, i32) {
    %c0_i32 = arith.constant 0 : i32
    %c0_i32_0 = arith.constant 0 : i32
    return %arg0, %c0_i32 : i32, i32
  }
  func.func @transform_5(%arg0: i32) -> (i32, i32) {
    %c0_i32 = arith.constant 0 : i32
    %c0_i32_0 = arith.constant 0 : i32
    return %arg0, %c0_i32 : i32, i32
  }
}

module attributes {stable_mosaic.version = 14 : i64} {
  func.func @_select_body(%arg0: memref<79x128xf32, #tpu.memory_space<vmem>>, %arg1: memref<79x128xf32, #tpu.memory_space<vmem>>) attributes {dimension_semantics = [], scalar_prefetch = 0 : i64, scratch_operands = 0 : i64, tpu.core_type = #tpu.core_type<tc>} {
    %get3A = arith.constant 0 : index
    %get3A_0 = arith.constant 0 : index
    %get3A_1 = vector.load %arg0[%get3A, %get3A_0] : memref<79x128xf32, #tpu.memory_space<vmem>>, vector<79x128xf32>
    %bitcast_convert_type3A = tpu.bitcast %get3A_1 : vector<79x128xf32> -> vector<79x128xi32>
    %ge3A = arith.constant 0 : i32
    %ge3A_2 = vector.broadcast %ge3A : i32 to vector<79x128xi32>
    %ge3A_3 = arith.cmpi sge, %bitcast_convert_type3A, %ge3A_2 : vector<79x128xi32>
    %xor3A = arith.constant 2147483647 : i32
    %xor3A_4 = vector.broadcast %xor3A : i32 to vector<79x128xi32>
    %xor3A_5 = arith.xori %bitcast_convert_type3A, %xor3A_4 : vector<79x128xi32>
    %select_n3A = arith.select %ge3A_3, %bitcast_convert_type3A, %xor3A_5 : vector<79x128xi1>, vector<79x128xi32>
    %reduce_min3A = vector.shape_cast %select_n3A : vector<79x128xi32> to vector<1x79x128xi32>
    %reduce_min3A_6 = arith.constant dense<2147483647> : vector<1xi32>
    %reduce_min3A_7 = vector.multi_reduction <minsi>, %reduce_min3A, %reduce_min3A_6 [1, 2] : vector<1x79x128xi32> to vector<1xi32>
    %reduce_min3A_8 = vector.shape_cast %reduce_min3A_7 : vector<1xi32> to vector<1x1x1xi32>
    %reduce_min3A_9 = vector.extract %reduce_min3A_8[0, 0, 0] : i32 from vector<1x1x1xi32>
    %reduce_max3A = vector.shape_cast %select_n3A : vector<79x128xi32> to vector<1x79x128xi32>
    %reduce_max3A_10 = arith.constant dense<-2147483648> : vector<1xi32>
    %reduce_max3A_11 = vector.multi_reduction <maxsi>, %reduce_max3A, %reduce_max3A_10 [1, 2] : vector<1x79x128xi32> to vector<1xi32>
    %reduce_max3A_12 = vector.shape_cast %reduce_max3A_11 : vector<1xi32> to vector<1x1x1xi32>
    %reduce_max3A_13 = vector.extract %reduce_max3A_12[0, 0, 0] : i32 from vector<1x1x1xi32>
    %add3A = arith.constant 1 : i32
    %add3A_14 = arith.addi %reduce_max3A_13, %add3A : i32
    %scan3A = arith.constant 0 : i32
    %scan3A_15 = arith.constant 32 : i32
    %scan3A_16 = arith.addi %scan3A, %scan3A_15 : i32
    %scan3A_17 = arith.constant 1 : i32
    %scan3A_18:2 = scf.for %scan3A_49 = %scan3A to %scan3A_16 step %scan3A_17 iter_args(%scan3A_50 = %reduce_min3A_9, %scan3A_51 = %add3A_14) -> (i32, i32)  : i32 {
      %shift_right_arithmetic3A = arith.constant 1 : i32
      %shift_right_arithmetic3A_52 = arith.shrsi %scan3A_50, %shift_right_arithmetic3A : i32
      %shift_right_arithmetic3A_53 = arith.constant 1 : i32
      %shift_right_arithmetic3A_54 = arith.shrsi %scan3A_51, %shift_right_arithmetic3A_53 : i32
      %add3A_55 = arith.addi %shift_right_arithmetic3A_52, %shift_right_arithmetic3A_54 : i32
      %and3A_56 = arith.andi %scan3A_50, %scan3A_51 : i32
      %and3A_57 = arith.constant 1 : i32
      %and3A_58 = arith.andi %and3A_56, %and3A_57 : i32
      %add3A_59 = arith.addi %add3A_55, %and3A_58 : i32
      %ge3A_60 = vector.broadcast %add3A_59 : i32 to vector<79x128xi32>
      %ge3A_61 = arith.cmpi sge, %select_n3A, %ge3A_60 : vector<79x128xi32>
      %convert_element_type3A_62 = arith.extui %ge3A_61 : vector<79x128xi1> to vector<79x128xi32>
      %reduce_sum3A_63 = vector.shape_cast %convert_element_type3A_62 : vector<79x128xi32> to vector<1x79x128xi32>
      %reduce_sum3A_64 = arith.constant dense<0> : vector<1xi32>
      %reduce_sum3A_65 = vector.multi_reduction <add>, %reduce_sum3A_63, %reduce_sum3A_64 [1, 2] : vector<1x79x128xi32> to vector<1xi32>
      %reduce_sum3A_66 = vector.shape_cast %reduce_sum3A_65 : vector<1xi32> to vector<1x1x1xi32>
      %reduce_sum3A_67 = vector.extract %reduce_sum3A_66[0, 0, 0] : i32 from vector<1x1x1xi32>
      %ge3A_68 = arith.constant 2000 : i32
      %ge3A_69 = arith.cmpi sge, %reduce_sum3A_67, %ge3A_68 : i32
      %select_n3A_70 = arith.select %ge3A_69, %add3A_59, %scan3A_50 : i32
      %select_n3A_71 = arith.select %ge3A_69, %scan3A_51, %add3A_59 : i32
      scf.yield %select_n3A_70, %select_n3A_71 : i32, i32
    }
    %gt3A = vector.broadcast %scan3A_18#0 : i32 to vector<79x128xi32>
    %gt3A_19 = arith.cmpi sgt, %select_n3A, %gt3A : vector<79x128xi32>
    %eq3A = vector.broadcast %scan3A_18#0 : i32 to vector<79x128xi32>
    %eq3A_20 = arith.cmpi eq, %select_n3A, %eq3A : vector<79x128xi32>
    %convert_element_type3A = arith.extui %gt3A_19 : vector<79x128xi1> to vector<79x128xi32>
    %reduce_sum3A = vector.shape_cast %convert_element_type3A : vector<79x128xi32> to vector<1x79x128xi32>
    %reduce_sum3A_21 = arith.constant dense<0> : vector<1xi32>
    %reduce_sum3A_22 = vector.multi_reduction <add>, %reduce_sum3A, %reduce_sum3A_21 [1, 2] : vector<1x79x128xi32> to vector<1xi32>
    %reduce_sum3A_23 = vector.shape_cast %reduce_sum3A_22 : vector<1xi32> to vector<1x1x1xi32>
    %reduce_sum3A_24 = vector.extract %reduce_sum3A_23[0, 0, 0] : i32 from vector<1x1x1xi32>
    %sub3A = arith.constant 2000 : i32
    %sub3A_25 = arith.subi %sub3A, %reduce_sum3A_24 : i32
    %convert_element_type3A_26 = arith.sitofp %sub3A_25 : i32 to f32
    %convert_element_type3A_27 = arith.extui %eq3A_20 : vector<79x128xi1> to vector<79x128xi32>
    %convert_element_type3A_28 = arith.sitofp %convert_element_type3A_27 : vector<79x128xi32> to vector<79x128xf32>
    %iota3A = tpu.iota {dimensions = array<i32: 0>} : vector<128x128xi32>
    %iota3A_29 = tpu.iota {dimensions = array<i32: 1>} : vector<128x128xi32>
    %le3A = arith.cmpi sle, %iota3A, %iota3A_29 : vector<128x128xi32>
    %convert_element_type3A_30 = arith.extui %le3A : vector<128x128xi1> to vector<128x128xi32>
    %convert_element_type3A_31 = arith.sitofp %convert_element_type3A_30 : vector<128x128xi32> to vector<128x128xf32>
    %dot_general3A = arith.constant dense<0.000000e+00> : vector<79x128xf32>
    %dot_general3A_32 = tpu.matmul %convert_element_type3A_28, %convert_element_type3A_31, %dot_general3A {dimension_numbers = #tpu.dot_dimension_numbers<[1], [0], [0], [1], [0, 0, 1, 1], [], []>, transpose_lhs_hint = false} : vector<79x128xf32>, vector<128x128xf32>, vector<79x128xf32> -> vector<79x128xf32>
    %reduce_sum3A_33 = arith.constant dense<0.000000e+00> : vector<79xf32>
    %reduce_sum3A_34 = vector.multi_reduction <add>, %convert_element_type3A_28, %reduce_sum3A_33 [1] : vector<79x128xf32> to vector<79xf32>
    %broadcast_in_dim3A = vector.shape_cast %reduce_sum3A_34 : vector<79xf32> to vector<79x1xf32>
    %iota3A_35 = tpu.iota {dimensions = array<i32: 0>} : vector<79x79xi32>
    %iota3A_36 = tpu.iota {dimensions = array<i32: 1>} : vector<79x79xi32>
    %lt3A = arith.cmpi slt, %iota3A_36, %iota3A_35 : vector<79x79xi32>
    %convert_element_type3A_37 = arith.extui %lt3A : vector<79x79xi1> to vector<79x79xi32>
    %convert_element_type3A_38 = arith.sitofp %convert_element_type3A_37 : vector<79x79xi32> to vector<79x79xf32>
    %dot_general3A_39 = arith.constant dense<0.000000e+00> : vector<79x1xf32>
    %dot_general3A_40 = tpu.matmul %convert_element_type3A_38, %broadcast_in_dim3A, %dot_general3A_39 {dimension_numbers = #tpu.dot_dimension_numbers<[1], [0], [0], [1], [0, 0, 1, 1], [], []>, transpose_lhs_hint = false} : vector<79x79xf32>, vector<79x1xf32>, vector<79x1xf32> -> vector<79x1xf32>
    %add3A_41 = vector.broadcast %dot_general3A_40 : vector<79x1xf32> to vector<79x128xf32>
    %add3A_42 = arith.addf %add3A_41, %dot_general3A_32 : vector<79x128xf32>
    %le3A_43 = vector.broadcast %convert_element_type3A_26 : f32 to vector<79x128xf32>
    %le3A_44 = arith.cmpf ole, %add3A_42, %le3A_43 : vector<79x128xf32>
    %and3A = arith.andi %eq3A_20, %le3A_44 : vector<79x128xi1>
    %or3A = arith.ori %gt3A_19, %and3A : vector<79x128xi1>
    %convert_element_type3A_45 = arith.extui %or3A : vector<79x128xi1> to vector<79x128xi32>
    %convert_element_type3A_46 = arith.sitofp %convert_element_type3A_45 : vector<79x128xi32> to vector<79x128xf32>
    %swap3A = arith.constant 0 : index
    %swap3A_47 = arith.constant 0 : index
    %swap3A_48 = vector.load %arg1[%swap3A, %swap3A_47] : memref<79x128xf32, #tpu.memory_space<vmem>>, vector<79x128xf32>
    tpu.vector_store %arg1[%swap3A, %swap3A_47], %convert_element_type3A_46 {strides = array<i32>} : memref<79x128xf32, #tpu.memory_space<vmem>>, vector<79x128xf32>,
    return
  }
}

module attributes {stable_mosaic.version = 14 : i64} {
  func.func @_build2_body(%arg0: i32, %arg1: memref<128x128xf32, #tpu.memory_space<vmem>>, %arg2: memref<128x1xf32, #tpu.memory_space<vmem>>, %arg3: memref<128x1xf32, #tpu.memory_space<vmem>>, %arg4: memref<128x128xf32, #tpu.memory_space<vmem>>, %arg5: memref<128x8xf32, #tpu.memory_space<vmem>>, %arg6: memref<128x1xi32, #tpu.memory_space<vmem>>, %arg7: memref<128x144xf32, #tpu.memory_space<vmem>>, %arg8: memref<1x128xf32, #tpu.memory_space<vmem>>) attributes {dimension_semantics = [#tpu.dimension_semantics<arbitrary>], iteration_bounds = array<i64: 79>, scalar_prefetch = 0 : i64, scratch_operands = 0 : i64, tpu.core_type = #tpu.core_type<tc>, window_params = [{transform_indices = @transform_0, window_bounds = array<i64: 128, 128>}, {transform_indices = @transform_1, window_bounds = array<i64: 128, 1>}, {transform_indices = @transform_2, window_bounds = array<i64: 128, 1>}, {pipeline_mode = #tpu.pipeline_mode<synchronous>, transform_indices = @transform_3, window_bounds = array<i64: 128, 128>}, {pipeline_mode = #tpu.pipeline_mode<synchronous>, transform_indices = @transform_4, window_bounds = array<i64: 128, 8>}, {transform_indices = @transform_5, window_bounds = array<i64: 128, 1>}, {transform_indices = @transform_6, window_bounds = array<i64: 128, 144>}, {pipeline_mode = #tpu.pipeline_mode<synchronous>, transform_indices = @transform_7, window_bounds = array<i64: 1, 128>}]} {
    %eq3A = arith.constant 0 : i32
    %eq3A_0 = arith.cmpi eq, %arg0, %eq3A : i32
    %convert_element_type3A = arith.extui %eq3A_0 : i1 to i32
    %cond3A = arith.constant 0 : i32
    %cond3A_1 = arith.cmpi ne, %convert_element_type3A, %cond3A : i32
    scf.if %cond3A_1 {
      %broadcast_in_dim3A_47 = arith.constant 0.000000e+00 : f32
      %broadcast_in_dim3A_48 = vector.broadcast %broadcast_in_dim3A_47 : f32 to vector<1x128xf32>
      %swap3A_49 = arith.constant 0 : index
      %swap3A_50 = arith.constant 0 : index
      %swap3A_51 = vector.load %arg8[%swap3A_49, %swap3A_50] : memref<1x128xf32, #tpu.memory_space<vmem>>, vector<1x128xf32>
      tpu.vector_store %arg8[%swap3A_49, %swap3A_50], %broadcast_in_dim3A_48 {strides = array<i32>} : memref<1x128xf32, #tpu.memory_space<vmem>>, vector<1x128xf32>,
    } else {
    }
    %get3A = arith.constant 0 : index
    %get3A_2 = arith.constant 0 : index
    %get3A_3 = vector.load %arg1[%get3A, %get3A_2] : memref<128x128xf32, #tpu.memory_space<vmem>>, vector<128x128xf32>
    %get3A_4 = arith.constant 0 : index
    %get3A_5 = arith.constant 0 : index
    %get3A_6 = vector.load %arg2[%get3A_4, %get3A_5] : memref<128x1xf32, #tpu.memory_space<vmem>>, vector<128x1xf32>
    %mul3A = vector.broadcast %get3A_6 : vector<128x1xf32> to vector<128x128xf32>
    %mul3A_7 = arith.mulf %get3A_3, %mul3A : vector<128x128xf32>
    %get3A_8 = arith.constant 0 : index
    %get3A_9 = arith.constant 0 : index
    %get3A_10 = vector.load %arg3[%get3A_8, %get3A_9] : memref<128x1xf32, #tpu.memory_space<vmem>>, vector<128x1xf32>
    %get3A_11 = arith.constant 0 : index
    %get3A_12 = arith.constant 0 : index
    %get3A_13 = vector.load %arg8[%get3A_11, %get3A_12] : memref<1x128xf32, #tpu.memory_space<vmem>>, vector<1x128xf32>
    %mul3A_14 = vector.broadcast %get3A_10 : vector<128x1xf32> to vector<128x128xf32>
    %mul3A_15 = arith.mulf %mul3A_7, %mul3A_14 : vector<128x128xf32>
    %reduce_sum3A = arith.constant dense<0.000000e+00> : vector<128xf32>
    %reduce_sum3A_16 = vector.multi_reduction <add>, %mul3A_15, %reduce_sum3A [0] : vector<128x128xf32> to vector<128xf32>
    %broadcast_in_dim3A = vector.shape_cast %reduce_sum3A_16 : vector<128xf32> to vector<1x128xf32>
    %add3A = arith.addf %get3A_13, %broadcast_in_dim3A : vector<1x128xf32>
    %swap3A = arith.constant 0 : index
    %swap3A_17 = arith.constant 0 : index
    %swap3A_18 = vector.load %arg8[%swap3A, %swap3A_17] : memref<1x128xf32, #tpu.memory_space<vmem>>, vector<1x128xf32>
    tpu.vector_store %arg8[%swap3A, %swap3A_17], %add3A {strides = array<i32>} : memref<1x128xf32, #tpu.memory_space<vmem>>, vector<1x128xf32>,
    %get3A_19 = arith.constant 0 : index
    %get3A_20 = arith.constant 0 : index
    %get3A_21 = vector.load %arg4[%get3A_19, %get3A_20] : memref<128x128xf32, #tpu.memory_space<vmem>>, vector<128x128xf32>
    %dot_general3A = arith.constant dense<0.000000e+00> : vector<128x128xf32>
    %dot_general3A_22 = tpu.matmul %mul3A_7, %get3A_21, %dot_general3A {dimension_numbers = #tpu.dot_dimension_numbers<[1], [0], [0], [1], [0, 0, 1, 1], [], []>, transpose_lhs_hint = false} : vector<128x128xf32>, vector<128x128xf32>, vector<128x128xf32> -> vector<128x128xf32>
    %get3A_23 = arith.constant 0 : index
    %get3A_24 = arith.constant 0 : index
    %get3A_25 = vector.load %arg5[%get3A_23, %get3A_24] : memref<128x8xf32, #tpu.memory_space<vmem>>, vector<128x8xf32>
    %dot_general3A_26 = arith.constant dense<0.000000e+00> : vector<128x8xf32>
    %dot_general3A_27 = tpu.matmul %dot_general3A_22, %get3A_25, %dot_general3A_26 {dimension_numbers = #tpu.dot_dimension_numbers<[1], [0], [0], [1], [0, 0, 1, 1], [], []>, transpose_lhs_hint = false} : vector<128x128xf32>, vector<128x8xf32>, vector<128x8xf32> -> vector<128x8xf32>
    %iota3A = tpu.iota {dimensions = array<i32: 1>} : vector<128x8xi32>
    %get3A_28 = arith.constant 0 : index
    %get3A_29 = arith.constant 0 : index
    %get3A_30 = vector.load %arg6[%get3A_28, %get3A_29] : memref<128x1xi32, #tpu.memory_space<vmem>>, vector<128x1xi32>
    %eq3A_31 = vector.broadcast %get3A_30 : vector<128x1xi32> to vector<128x8xi32>
    %eq3A_32 = arith.cmpi eq, %iota3A, %eq3A_31 : vector<128x8xi32>
    %convert_element_type3A_33 = arith.extui %eq3A_32 : vector<128x8xi1> to vector<128x8xi32>
    %convert_element_type3A_34 = arith.sitofp %convert_element_type3A_33 : vector<128x8xi32> to vector<128x8xf32>
    %mul3A_35 = arith.mulf %dot_general3A_27, %convert_element_type3A_34 : vector<128x8xf32>
    %reduce_sum3A_36 = arith.constant dense<0.000000e+00> : vector<128xf32>
    %reduce_sum3A_37 = vector.multi_reduction <add>, %mul3A_35, %reduce_sum3A_36 [1] : vector<128x8xf32> to vector<128xf32>
    %broadcast_in_dim3A_38 = vector.shape_cast %reduce_sum3A_37 : vector<128xf32> to vector<128x1xf32>
    %exp3A = math.exp %broadcast_in_dim3A_38 : vector<128x1xf32>
    %mul3A_39 = arith.mulf %exp3A, %get3A_10 : vector<128x1xf32>
    %mul3A_40 = vector.broadcast %mul3A_39 : vector<128x1xf32> to vector<128x128xf32>
    %mul3A_41 = arith.mulf %mul3A_40, %dot_general3A_22 : vector<128x128xf32>
    %broadcast_in_dim3A_42 = arith.constant 0.000000e+00 : f32
    %broadcast_in_dim3A_43 = vector.broadcast %broadcast_in_dim3A_42 : f32 to vector<128x15xf32>
    %concatenate3A = tpu.concatenate %mul3A_41, %mul3A_39, %broadcast_in_dim3A_43 in 1 : vector<128x128xf32>, vector<128x1xf32>, vector<128x15xf32> -> vector<128x144xf32>
    %swap3A_44 = arith.constant 0 : index
    %swap3A_45 = arith.constant 0 : index
    %swap3A_46 = vector.load %arg7[%swap3A_44, %swap3A_45] : memref<128x144xf32, #tpu.memory_space<vmem>>, vector<128x144xf32>
    tpu.vector_store %arg7[%swap3A_44, %swap3A_45], %concatenate3A {strides = array<i32>} : memref<128x144xf32, #tpu.memory_space<vmem>>, vector<128x144xf32>,
    return
  }
  func.func @transform_0(%arg0: i32) -> (i32, i32) {
    %c0_i32 = arith.constant 0 : i32
    %c0_i32_0 = arith.constant 0 : i32
    return %arg0, %c0_i32 : i32, i32
  }
  func.func @transform_1(%arg0: i32) -> (i32, i32) {
    %c0_i32 = arith.constant 0 : i32
    %c0_i32_0 = arith.constant 0 : i32
    return %arg0, %c0_i32 : i32, i32
  }
  func.func @transform_2(%arg0: i32) -> (i32, i32) {
    %c0_i32 = arith.constant 0 : i32
    %c0_i32_0 = arith.constant 0 : i32
    return %arg0, %c0_i32 : i32, i32
  }
  func.func @transform_3(%arg0: i32) -> (i32, i32) {
    %c0_i32 = arith.constant 0 : i32
    %c0_i32_0 = arith.constant 0 : i32
    %c0_i32_1 = arith.constant 0 : i32
    return %c0_i32, %c0_i32_0 : i32, i32
  }
  func.func @transform_4(%arg0: i32) -> (i32, i32) {
    %c0_i32 = arith.constant 0 : i32
    %c0_i32_0 = arith.constant 0 : i32
    %c0_i32_1 = arith.constant 0 : i32
    return %c0_i32, %c0_i32_0 : i32, i32
  }
  func.func @transform_5(%arg0: i32) -> (i32, i32) {
    %c0_i32 = arith.constant 0 : i32
    %c0_i32_0 = arith.constant 0 : i32
    return %arg0, %c0_i32 : i32, i32
  }
  func.func @transform_6(%arg0: i32) -> (i32, i32) {
    %c0_i32 = arith.constant 0 : i32
    %c0_i32_0 = arith.constant 0 : i32
    return %arg0, %c0_i32 : i32, i32
  }
  func.func @transform_7(%arg0: i32) -> (i32, i32) {
    %c0_i32 = arith.constant 0 : i32
    %c0_i32_0 = arith.constant 0 : i32
    %c0_i32_1 = arith.constant 0 : i32
    return %c0_i32, %c0_i32_0 : i32, i32
  }
}

module attributes {stable_mosaic.version = 14 : i64} {
  func.func @_stage2_body(%arg0: i32, %arg1: memref<1x128x144xf32, #tpu.memory_space<vmem>>, %arg2: memref<1x128x144xf32, #tpu.memory_space<vmem>>, %arg3: memref<128x8xf32, #tpu.memory_space<vmem>>, %arg4: memref<128x1xf32, #tpu.memory_space<vmem>>, %arg5: memref<128x128xf32, #tpu.memory_space<vmem>>, %arg6: memref<128x1xf32, #tpu.memory_space<vmem>>, %arg7: memref<128x1xf32, #tpu.memory_space<vmem>>) attributes {dimension_semantics = [#tpu.dimension_semantics<arbitrary>], iteration_bounds = array<i64: 79>, scalar_prefetch = 0 : i64, scratch_operands = 0 : i64, tpu.core_type = #tpu.core_type<tc>, window_params = [{transform_indices = @transform_0, window_bounds = array<i64: 1, 128, 144>}, {transform_indices = @transform_1, window_bounds = array<i64: 1, 128, 144>}, {pipeline_mode = #tpu.pipeline_mode<synchronous>, transform_indices = @transform_2, window_bounds = array<i64: 128, 8>}, {transform_indices = @transform_3, window_bounds = array<i64: 128, 1>}, {transform_indices = @transform_4, window_bounds = array<i64: 128, 128>}, {transform_indices = @transform_5, window_bounds = array<i64: 128, 1>}, {transform_indices = @transform_6, window_bounds = array<i64: 128, 1>}]} {
    %get3A = arith.constant 0 : index
    %get3A_0 = arith.constant 0 : index
    %get3A_1 = arith.constant 0 : index
    %get3A_2 = vector.load %arg1[%get3A, %get3A_0, %get3A_1] : memref<1x128x144xf32, #tpu.memory_space<vmem>>, vector<1x128x144xf32>
    %get3A_3 = vector.shape_cast %get3A_2 : vector<1x128x144xf32> to vector<128x144xf32>
    %get3A_4 = arith.constant 0 : index
    %get3A_5 = arith.constant 0 : index
    %get3A_6 = arith.constant 0 : index
    %get3A_7 = vector.load %arg2[%get3A_4, %get3A_5, %get3A_6] : memref<1x128x144xf32, #tpu.memory_space<vmem>>, vector<1x128x144xf32>
    %get3A_8 = vector.shape_cast %get3A_7 : vector<1x128x144xf32> to vector<128x144xf32>
    %add3A = arith.addf %get3A_3, %get3A_8 : vector<128x144xf32>
    %slice3A = vector.extract_strided_slice %add3A {offsets = [0, 0], sizes = [128, 128], strides = [1, 1]} : vector<128x144xf32> to vector<128x128xf32>
    %slice3A_9 = vector.extract_strided_slice %add3A {offsets = [0, 128], sizes = [128, 1], strides = [1, 1]} : vector<128x144xf32> to vector<128x1xf32>
    %add3A_10 = arith.constant 1.000000e-16 : f32
    %add3A_11 = vector.broadcast %add3A_10 : f32 to vector<128x1xf32>
    %add3A_12 = arith.addf %slice3A_9, %add3A_11 : vector<128x1xf32>
    %div3A = vector.broadcast %add3A_12 : vector<128x1xf32> to vector<128x128xf32>
    %div3A_13 = arith.divf %slice3A, %div3A : vector<128x128xf32>
    %max3A = arith.constant 0.000000e+00 : f32
    %max3A_14 = vector.broadcast %max3A : f32 to vector<128x128xf32>
    %max3A_15 = arith.maximumf %div3A_13, %max3A_14 : vector<128x128xf32>
    %reduce_sum3A = arith.constant dense<0.000000e+00> : vector<128xf32>
    %reduce_sum3A_16 = vector.multi_reduction <add>, %max3A_15, %reduce_sum3A [1] : vector<128x128xf32> to vector<128xf32>
    %broadcast_in_dim3A = vector.shape_cast %reduce_sum3A_16 : vector<128xf32> to vector<128x1xf32>
    %div3A_17 = arith.constant 1.280000e+02 : f32
    %div3A_18 = vector.broadcast %div3A_17 : f32 to vector<128x1xf32>
    %div3A_19 = arith.divf %broadcast_in_dim3A, %div3A_18 : vector<128x1xf32>
    %sub3A = vector.broadcast %div3A_19 : vector<128x1xf32> to vector<128x128xf32>
    %sub3A_20 = arith.subf %max3A_15, %sub3A : vector<128x128xf32>
    %integer_pow3A = arith.mulf %sub3A_20, %sub3A_20 : vector<128x128xf32>
    %reduce_sum3A_21 = arith.constant dense<0.000000e+00> : vector<128xf32>
    %reduce_sum3A_22 = vector.multi_reduction <add>, %integer_pow3A, %reduce_sum3A_21 [1] : vector<128x128xf32> to vector<128xf32>
    %broadcast_in_dim3A_23 = vector.shape_cast %reduce_sum3A_22 : vector<128xf32> to vector<128x1xf32>
    %div3A_24 = arith.constant 1.280000e+02 : f32
    %div3A_25 = vector.broadcast %div3A_24 : f32 to vector<128x1xf32>
    %div3A_26 = arith.divf %broadcast_in_dim3A_23, %div3A_25 : vector<128x1xf32>
    %sub3A_27 = vector.broadcast %div3A_19 : vector<128x1xf32> to vector<128x128xf32>
    %sub3A_28 = arith.subf %max3A_15, %sub3A_27 : vector<128x128xf32>
    %add3A_29 = arith.constant 9.99999974E-6 : f32
    %add3A_30 = vector.broadcast %add3A_29 : f32 to vector<128x1xf32>
    %add3A_31 = arith.addf %div3A_26, %add3A_30 : vector<128x1xf32>
    %rsqrt3A = math.rsqrt %add3A_31 : vector<128x1xf32>
    %mul3A = vector.broadcast %rsqrt3A : vector<128x1xf32> to vector<128x128xf32>
    %mul3A_32 = arith.mulf %sub3A_28, %mul3A : vector<128x128xf32>
    %get3A_33 = arith.constant 0 : index
    %get3A_34 = arith.constant 0 : index
    %get3A_35 = vector.load %arg3[%get3A_33, %get3A_34] : memref<128x8xf32, #tpu.memory_space<vmem>>, vector<128x8xf32>
    %dot_general3A = arith.constant dense<0.000000e+00> : vector<128x8xf32>
    %dot_general3A_36 = tpu.matmul %mul3A_32, %get3A_35, %dot_general3A {dimension_numbers = #tpu.dot_dimension_numbers<[1], [0], [0], [1], [0, 0, 1, 1], [], []>, transpose_lhs_hint = false} : vector<128x128xf32>, vector<128x8xf32>, vector<128x8xf32> -> vector<128x8xf32>
    %tanh3A = math.tanh %dot_general3A_36 : vector<128x8xf32>
    %slice3A_37 = vector.extract_strided_slice %tanh3A {offsets = [0, 0], sizes = [128, 1], strides = [1, 1]} : vector<128x8xf32> to vector<128x1xf32>
    %swap3A = arith.constant 0 : index
    %swap3A_38 = arith.constant 0 : index
    %swap3A_39 = vector.load %arg5[%swap3A, %swap3A_38] : memref<128x128xf32, #tpu.memory_space<vmem>>, vector<128x128xf32>
    tpu.vector_store %arg5[%swap3A, %swap3A_38], %mul3A_32 {strides = array<i32>} : memref<128x128xf32, #tpu.memory_space<vmem>>, vector<128x128xf32>,
    %swap3A_40 = arith.constant 0 : index
    %swap3A_41 = arith.constant 0 : index
    %swap3A_42 = vector.load %arg6[%swap3A_40, %swap3A_41] : memref<128x1xf32, #tpu.memory_space<vmem>>, vector<128x1xf32>
    tpu.vector_store %arg6[%swap3A_40, %swap3A_41], %slice3A_37 {strides = array<i32>} : memref<128x1xf32, #tpu.memory_space<vmem>>, vector<128x1xf32>,
    %get3A_43 = arith.constant 0 : index
    %get3A_44 = arith.constant 0 : index
    %get3A_45 = vector.load %arg4[%get3A_43, %get3A_44] : memref<128x1xf32, #tpu.memory_space<vmem>>, vector<128x1xf32>
    %gt3A = arith.constant 0.000000e+00 : f32
    %gt3A_46 = vector.broadcast %gt3A : f32 to vector<128x1xf32>
    %gt3A_47 = arith.cmpf ogt, %get3A_45, %gt3A_46 : vector<128x1xf32>
    %jit3A = arith.constant 0xFF800000 : f32
    %broadcast_in_dim3A_48 = vector.broadcast %jit3A : f32 to vector<128x1xf32>
    %select_n3A = arith.select %gt3A_47, %slice3A_37, %broadcast_in_dim3A_48 : vector<128x1xi1>, vector<128x1xf32>
    %swap3A_49 = arith.constant 0 : index
    %swap3A_50 = arith.constant 0 : index
    %swap3A_51 = vector.load %arg7[%swap3A_49, %swap3A_50] : memref<128x1xf32, #tpu.memory_space<vmem>>, vector<128x1xf32>
    tpu.vector_store %arg7[%swap3A_49, %swap3A_50], %select_n3A {strides = array<i32>} : memref<128x1xf32, #tpu.memory_space<vmem>>, vector<128x1xf32>,
    return
  }
  func.func @transform_0(%arg0: i32) -> (i32, i32, i32) {
    %c0_i32 = arith.constant 0 : i32
    %c0_i32_0 = arith.constant 0 : i32
    %c0_i32_1 = arith.constant 0 : i32
    return %c0_i32, %arg0, %c0_i32_0 : i32, i32, i32
  }
  func.func @transform_1(%arg0: i32) -> (i32, i32, i32) {
    %c1_i32 = arith.constant 1 : i32
    %c0_i32 = arith.constant 0 : i32
    %c0_i32_0 = arith.constant 0 : i32
    return %c1_i32, %arg0, %c0_i32 : i32, i32, i32
  }
  func.func @transform_2(%arg0: i32) -> (i32, i32) {
    %c0_i32 = arith.constant 0 : i32
    %c0_i32_0 = arith.constant 0 : i32
    %c0_i32_1 = arith.constant 0 : i32
    return %c0_i32, %c0_i32_0 : i32, i32
  }
  func.func @transform_3(%arg0: i32) -> (i32, i32) {
    %c0_i32 = arith.constant 0 : i32
    %c0_i32_0 = arith.constant 0 : i32
    return %arg0, %c0_i32 : i32, i32
  }
  func.func @transform_4(%arg0: i32) -> (i32, i32) {
    %c0_i32 = arith.constant 0 : i32
    %c0_i32_0 = arith.constant 0 : i32
    return %arg0, %c0_i32 : i32, i32
  }
  func.func @transform_5(%arg0: i32) -> (i32, i32) {
    %c0_i32 = arith.constant 0 : i32
    %c0_i32_0 = arith.constant 0 : i32
    return %arg0, %c0_i32 : i32, i32
  }
  func.func @transform_6(%arg0: i32) -> (i32, i32) {
    %c0_i32 = arith.constant 0 : i32
    %c0_i32_0 = arith.constant 0 : i32
    return %arg0, %c0_i32 : i32, i32
  }
}

module attributes {stable_mosaic.version = 14 : i64} {
  func.func @_select_body(%arg0: memref<79x128xf32, #tpu.memory_space<vmem>>, %arg1: memref<79x128xf32, #tpu.memory_space<vmem>>) attributes {dimension_semantics = [], scalar_prefetch = 0 : i64, scratch_operands = 0 : i64, tpu.core_type = #tpu.core_type<tc>} {
    %get3A = arith.constant 0 : index
    %get3A_0 = arith.constant 0 : index
    %get3A_1 = vector.load %arg0[%get3A, %get3A_0] : memref<79x128xf32, #tpu.memory_space<vmem>>, vector<79x128xf32>
    %bitcast_convert_type3A = tpu.bitcast %get3A_1 : vector<79x128xf32> -> vector<79x128xi32>
    %ge3A = arith.constant 0 : i32
    %ge3A_2 = vector.broadcast %ge3A : i32 to vector<79x128xi32>
    %ge3A_3 = arith.cmpi sge, %bitcast_convert_type3A, %ge3A_2 : vector<79x128xi32>
    %xor3A = arith.constant 2147483647 : i32
    %xor3A_4 = vector.broadcast %xor3A : i32 to vector<79x128xi32>
    %xor3A_5 = arith.xori %bitcast_convert_type3A, %xor3A_4 : vector<79x128xi32>
    %select_n3A = arith.select %ge3A_3, %bitcast_convert_type3A, %xor3A_5 : vector<79x128xi1>, vector<79x128xi32>
    %reduce_min3A = vector.shape_cast %select_n3A : vector<79x128xi32> to vector<1x79x128xi32>
    %reduce_min3A_6 = arith.constant dense<2147483647> : vector<1xi32>
    %reduce_min3A_7 = vector.multi_reduction <minsi>, %reduce_min3A, %reduce_min3A_6 [1, 2] : vector<1x79x128xi32> to vector<1xi32>
    %reduce_min3A_8 = vector.shape_cast %reduce_min3A_7 : vector<1xi32> to vector<1x1x1xi32>
    %reduce_min3A_9 = vector.extract %reduce_min3A_8[0, 0, 0] : i32 from vector<1x1x1xi32>
    %reduce_max3A = vector.shape_cast %select_n3A : vector<79x128xi32> to vector<1x79x128xi32>
    %reduce_max3A_10 = arith.constant dense<-2147483648> : vector<1xi32>
    %reduce_max3A_11 = vector.multi_reduction <maxsi>, %reduce_max3A, %reduce_max3A_10 [1, 2] : vector<1x79x128xi32> to vector<1xi32>
    %reduce_max3A_12 = vector.shape_cast %reduce_max3A_11 : vector<1xi32> to vector<1x1x1xi32>
    %reduce_max3A_13 = vector.extract %reduce_max3A_12[0, 0, 0] : i32 from vector<1x1x1xi32>
    %add3A = arith.constant 1 : i32
    %add3A_14 = arith.addi %reduce_max3A_13, %add3A : i32
    %scan3A = arith.constant 0 : i32
    %scan3A_15 = arith.constant 32 : i32
    %scan3A_16 = arith.addi %scan3A, %scan3A_15 : i32
    %scan3A_17 = arith.constant 1 : i32
    %scan3A_18:2 = scf.for %scan3A_49 = %scan3A to %scan3A_16 step %scan3A_17 iter_args(%scan3A_50 = %reduce_min3A_9, %scan3A_51 = %add3A_14) -> (i32, i32)  : i32 {
      %shift_right_arithmetic3A = arith.constant 1 : i32
      %shift_right_arithmetic3A_52 = arith.shrsi %scan3A_50, %shift_right_arithmetic3A : i32
      %shift_right_arithmetic3A_53 = arith.constant 1 : i32
      %shift_right_arithmetic3A_54 = arith.shrsi %scan3A_51, %shift_right_arithmetic3A_53 : i32
      %add3A_55 = arith.addi %shift_right_arithmetic3A_52, %shift_right_arithmetic3A_54 : i32
      %and3A_56 = arith.andi %scan3A_50, %scan3A_51 : i32
      %and3A_57 = arith.constant 1 : i32
      %and3A_58 = arith.andi %and3A_56, %and3A_57 : i32
      %add3A_59 = arith.addi %add3A_55, %and3A_58 : i32
      %ge3A_60 = vector.broadcast %add3A_59 : i32 to vector<79x128xi32>
      %ge3A_61 = arith.cmpi sge, %select_n3A, %ge3A_60 : vector<79x128xi32>
      %convert_element_type3A_62 = arith.extui %ge3A_61 : vector<79x128xi1> to vector<79x128xi32>
      %reduce_sum3A_63 = vector.shape_cast %convert_element_type3A_62 : vector<79x128xi32> to vector<1x79x128xi32>
      %reduce_sum3A_64 = arith.constant dense<0> : vector<1xi32>
      %reduce_sum3A_65 = vector.multi_reduction <add>, %reduce_sum3A_63, %reduce_sum3A_64 [1, 2] : vector<1x79x128xi32> to vector<1xi32>
      %reduce_sum3A_66 = vector.shape_cast %reduce_sum3A_65 : vector<1xi32> to vector<1x1x1xi32>
      %reduce_sum3A_67 = vector.extract %reduce_sum3A_66[0, 0, 0] : i32 from vector<1x1x1xi32>
      %ge3A_68 = arith.constant 500 : i32
      %ge3A_69 = arith.cmpi sge, %reduce_sum3A_67, %ge3A_68 : i32
      %select_n3A_70 = arith.select %ge3A_69, %add3A_59, %scan3A_50 : i32
      %select_n3A_71 = arith.select %ge3A_69, %scan3A_51, %add3A_59 : i32
      scf.yield %select_n3A_70, %select_n3A_71 : i32, i32
    }
    %gt3A = vector.broadcast %scan3A_18#0 : i32 to vector<79x128xi32>
    %gt3A_19 = arith.cmpi sgt, %select_n3A, %gt3A : vector<79x128xi32>
    %eq3A = vector.broadcast %scan3A_18#0 : i32 to vector<79x128xi32>
    %eq3A_20 = arith.cmpi eq, %select_n3A, %eq3A : vector<79x128xi32>
    %convert_element_type3A = arith.extui %gt3A_19 : vector<79x128xi1> to vector<79x128xi32>
    %reduce_sum3A = vector.shape_cast %convert_element_type3A : vector<79x128xi32> to vector<1x79x128xi32>
    %reduce_sum3A_21 = arith.constant dense<0> : vector<1xi32>
    %reduce_sum3A_22 = vector.multi_reduction <add>, %reduce_sum3A, %reduce_sum3A_21 [1, 2] : vector<1x79x128xi32> to vector<1xi32>
    %reduce_sum3A_23 = vector.shape_cast %reduce_sum3A_22 : vector<1xi32> to vector<1x1x1xi32>
    %reduce_sum3A_24 = vector.extract %reduce_sum3A_23[0, 0, 0] : i32 from vector<1x1x1xi32>
    %sub3A = arith.constant 500 : i32
    %sub3A_25 = arith.subi %sub3A, %reduce_sum3A_24 : i32
    %convert_element_type3A_26 = arith.sitofp %sub3A_25 : i32 to f32
    %convert_element_type3A_27 = arith.extui %eq3A_20 : vector<79x128xi1> to vector<79x128xi32>
    %convert_element_type3A_28 = arith.sitofp %convert_element_type3A_27 : vector<79x128xi32> to vector<79x128xf32>
    %iota3A = tpu.iota {dimensions = array<i32: 0>} : vector<128x128xi32>
    %iota3A_29 = tpu.iota {dimensions = array<i32: 1>} : vector<128x128xi32>
    %le3A = arith.cmpi sle, %iota3A, %iota3A_29 : vector<128x128xi32>
    %convert_element_type3A_30 = arith.extui %le3A : vector<128x128xi1> to vector<128x128xi32>
    %convert_element_type3A_31 = arith.sitofp %convert_element_type3A_30 : vector<128x128xi32> to vector<128x128xf32>
    %dot_general3A = arith.constant dense<0.000000e+00> : vector<79x128xf32>
    %dot_general3A_32 = tpu.matmul %convert_element_type3A_28, %convert_element_type3A_31, %dot_general3A {dimension_numbers = #tpu.dot_dimension_numbers<[1], [0], [0], [1], [0, 0, 1, 1], [], []>, transpose_lhs_hint = false} : vector<79x128xf32>, vector<128x128xf32>, vector<79x128xf32> -> vector<79x128xf32>
    %reduce_sum3A_33 = arith.constant dense<0.000000e+00> : vector<79xf32>
    %reduce_sum3A_34 = vector.multi_reduction <add>, %convert_element_type3A_28, %reduce_sum3A_33 [1] : vector<79x128xf32> to vector<79xf32>
    %broadcast_in_dim3A = vector.shape_cast %reduce_sum3A_34 : vector<79xf32> to vector<79x1xf32>
    %iota3A_35 = tpu.iota {dimensions = array<i32: 0>} : vector<79x79xi32>
    %iota3A_36 = tpu.iota {dimensions = array<i32: 1>} : vector<79x79xi32>
    %lt3A = arith.cmpi slt, %iota3A_36, %iota3A_35 : vector<79x79xi32>
    %convert_element_type3A_37 = arith.extui %lt3A : vector<79x79xi1> to vector<79x79xi32>
    %convert_element_type3A_38 = arith.sitofp %convert_element_type3A_37 : vector<79x79xi32> to vector<79x79xf32>
    %dot_general3A_39 = arith.constant dense<0.000000e+00> : vector<79x1xf32>
    %dot_general3A_40 = tpu.matmul %convert_element_type3A_38, %broadcast_in_dim3A, %dot_general3A_39 {dimension_numbers = #tpu.dot_dimension_numbers<[1], [0], [0], [1], [0, 0, 1, 1], [], []>, transpose_lhs_hint = false} : vector<79x79xf32>, vector<79x1xf32>, vector<79x1xf32> -> vector<79x1xf32>
    %add3A_41 = vector.broadcast %dot_general3A_40 : vector<79x1xf32> to vector<79x128xf32>
    %add3A_42 = arith.addf %add3A_41, %dot_general3A_32 : vector<79x128xf32>
    %le3A_43 = vector.broadcast %convert_element_type3A_26 : f32 to vector<79x128xf32>
    %le3A_44 = arith.cmpf ole, %add3A_42, %le3A_43 : vector<79x128xf32>
    %and3A = arith.andi %eq3A_20, %le3A_44 : vector<79x128xi1>
    %or3A = arith.ori %gt3A_19, %and3A : vector<79x128xi1>
    %convert_element_type3A_45 = arith.extui %or3A : vector<79x128xi1> to vector<79x128xi32>
    %convert_element_type3A_46 = arith.sitofp %convert_element_type3A_45 : vector<79x128xi32> to vector<79x128xf32>
    %swap3A = arith.constant 0 : index
    %swap3A_47 = arith.constant 0 : index
    %swap3A_48 = vector.load %arg1[%swap3A, %swap3A_47] : memref<79x128xf32, #tpu.memory_space<vmem>>, vector<79x128xf32>
    tpu.vector_store %arg1[%swap3A, %swap3A_47], %convert_element_type3A_46 {strides = array<i32>} : memref<79x128xf32, #tpu.memory_space<vmem>>, vector<79x128xf32>,
    return
  }
}

module attributes {stable_mosaic.version = 14 : i64} {
  func.func @_x2_body(%arg0: i32, %arg1: memref<128x128xf32, #tpu.memory_space<vmem>>, %arg2: memref<128x1xf32, #tpu.memory_space<vmem>>, %arg3: memref<128x1xf32, #tpu.memory_space<vmem>>, %arg4: memref<1x128xf32, #tpu.memory_space<vmem>>) attributes {dimension_semantics = [#tpu.dimension_semantics<arbitrary>], iteration_bounds = array<i64: 79>, scalar_prefetch = 0 : i64, scratch_operands = 0 : i64, tpu.core_type = #tpu.core_type<tc>, window_params = [{transform_indices = @transform_0, window_bounds = array<i64: 128, 128>}, {transform_indices = @transform_1, window_bounds = array<i64: 128, 1>}, {transform_indices = @transform_2, window_bounds = array<i64: 128, 1>}, {pipeline_mode = #tpu.pipeline_mode<synchronous>, transform_indices = @transform_3, window_bounds = array<i64: 1, 128>}]} {
    %eq3A = arith.constant 0 : i32
    %eq3A_0 = arith.cmpi eq, %arg0, %eq3A : i32
    %convert_element_type3A = arith.extui %eq3A_0 : i1 to i32
    %cond3A = arith.constant 0 : i32
    %cond3A_1 = arith.cmpi ne, %convert_element_type3A, %cond3A : i32
    scf.if %cond3A_1 {
      %broadcast_in_dim3A_19 = arith.constant 0.000000e+00 : f32
      %broadcast_in_dim3A_20 = vector.broadcast %broadcast_in_dim3A_19 : f32 to vector<1x128xf32>
      %swap3A_21 = arith.constant 0 : index
      %swap3A_22 = arith.constant 0 : index
      %swap3A_23 = vector.load %arg4[%swap3A_21, %swap3A_22] : memref<1x128xf32, #tpu.memory_space<vmem>>, vector<1x128xf32>
      tpu.vector_store %arg4[%swap3A_21, %swap3A_22], %broadcast_in_dim3A_20 {strides = array<i32>} : memref<1x128xf32, #tpu.memory_space<vmem>>, vector<1x128xf32>,
    } else {
    }
    %get3A = arith.constant 0 : index
    %get3A_2 = arith.constant 0 : index
    %get3A_3 = vector.load %arg4[%get3A, %get3A_2] : memref<1x128xf32, #tpu.memory_space<vmem>>, vector<1x128xf32>
    %get3A_4 = arith.constant 0 : index
    %get3A_5 = arith.constant 0 : index
    %get3A_6 = vector.load %arg1[%get3A_4, %get3A_5] : memref<128x128xf32, #tpu.memory_space<vmem>>, vector<128x128xf32>
    %get3A_7 = arith.constant 0 : index
    %get3A_8 = arith.constant 0 : index
    %get3A_9 = vector.load %arg2[%get3A_7, %get3A_8] : memref<128x1xf32, #tpu.memory_space<vmem>>, vector<128x1xf32>
    %mul3A = vector.broadcast %get3A_9 : vector<128x1xf32> to vector<128x128xf32>
    %mul3A_10 = arith.mulf %get3A_6, %mul3A : vector<128x128xf32>
    %get3A_11 = arith.constant 0 : index
    %get3A_12 = arith.constant 0 : index
    %get3A_13 = vector.load %arg3[%get3A_11, %get3A_12] : memref<128x1xf32, #tpu.memory_space<vmem>>, vector<128x1xf32>
    %mul3A_14 = vector.broadcast %get3A_13 : vector<128x1xf32> to vector<128x128xf32>
    %mul3A_15 = arith.mulf %mul3A_10, %mul3A_14 : vector<128x128xf32>
    %reduce_sum3A = arith.constant dense<0.000000e+00> : vector<128xf32>
    %reduce_sum3A_16 = vector.multi_reduction <add>, %mul3A_15, %reduce_sum3A [0] : vector<128x128xf32> to vector<128xf32>
    %broadcast_in_dim3A = vector.shape_cast %reduce_sum3A_16 : vector<128xf32> to vector<1x128xf32>
    %add3A = arith.addf %get3A_3, %broadcast_in_dim3A : vector<1x128xf32>
    %swap3A = arith.constant 0 : index
    %swap3A_17 = arith.constant 0 : index
    %swap3A_18 = vector.load %arg4[%swap3A, %swap3A_17] : memref<1x128xf32, #tpu.memory_space<vmem>>, vector<1x128xf32>
    tpu.vector_store %arg4[%swap3A, %swap3A_17], %add3A {strides = array<i32>} : memref<1x128xf32, #tpu.memory_space<vmem>>, vector<1x128xf32>,
    return
  }
  func.func @transform_0(%arg0: i32) -> (i32, i32) {
    %c0_i32 = arith.constant 0 : i32
    %c0_i32_0 = arith.constant 0 : i32
    return %arg0, %c0_i32 : i32, i32
  }
  func.func @transform_1(%arg0: i32) -> (i32, i32) {
    %c0_i32 = arith.constant 0 : i32
    %c0_i32_0 = arith.constant 0 : i32
    return %arg0, %c0_i32 : i32, i32
  }
  func.func @transform_2(%arg0: i32) -> (i32, i32) {
    %c0_i32 = arith.constant 0 : i32
    %c0_i32_0 = arith.constant 0 : i32
    return %arg0, %c0_i32 : i32, i32
  }
  func.func @transform_3(%arg0: i32) -> (i32, i32) {
    %c0_i32 = arith.constant 0 : i32
    %c0_i32_0 = arith.constant 0 : i32
    %c0_i32_1 = arith.constant 0 : i32
    return %c0_i32, %c0_i32_0 : i32, i32
  }
}

module attributes {stable_mosaic.version = 14 : i64} {
  func.func @_head_body(%arg0: memref<1x128xf32, #tpu.memory_space<vmem>>, %arg1: memref<1x128xf32, #tpu.memory_space<vmem>>, %arg2: memref<128x128xf32, #tpu.memory_space<vmem>>, %arg3: memref<1x128xf32, #tpu.memory_space<vmem>>, %arg4: memref<128x128xf32, #tpu.memory_space<vmem>>, %arg5: memref<1x128xf32, #tpu.memory_space<vmem>>, %arg6: memref<1x128xf32, #tpu.memory_space<vmem>>) attributes {dimension_semantics = [], scalar_prefetch = 0 : i64, scratch_operands = 0 : i64, tpu.core_type = #tpu.core_type<tc>} {
    %get3A = arith.constant 0 : index
    %get3A_0 = arith.constant 0 : index
    %get3A_1 = vector.load %arg0[%get3A, %get3A_0] : memref<1x128xf32, #tpu.memory_space<vmem>>, vector<1x128xf32>
    %div3A = arith.constant 2.000000e+03 : f32
    %div3A_2 = vector.broadcast %div3A : f32 to vector<1x128xf32>
    %div3A_3 = arith.divf %get3A_1, %div3A_2 : vector<1x128xf32>
    %get3A_4 = arith.constant 0 : index
    %get3A_5 = arith.constant 0 : index
    %get3A_6 = vector.load %arg1[%get3A_4, %get3A_5] : memref<1x128xf32, #tpu.memory_space<vmem>>, vector<1x128xf32>
    %div3A_7 = arith.constant 5.000000e+02 : f32
    %div3A_8 = vector.broadcast %div3A_7 : f32 to vector<1x128xf32>
    %div3A_9 = arith.divf %get3A_6, %div3A_8 : vector<1x128xf32>
    %add3A = arith.addf %div3A_3, %div3A_9 : vector<1x128xf32>
    %get3A_10 = arith.constant 0 : index
    %get3A_11 = arith.constant 0 : index
    %get3A_12 = vector.load %arg2[%get3A_10, %get3A_11] : memref<128x128xf32, #tpu.memory_space<vmem>>, vector<128x128xf32>
    %dot_general3A = arith.constant dense<0.000000e+00> : vector<1x128xf32>
    %dot_general3A_13 = tpu.matmul %add3A, %get3A_12, %dot_general3A {dimension_numbers = #tpu.dot_dimension_numbers<[1], [0], [0], [1], [0, 0, 1, 1], [], []>, transpose_lhs_hint = false} : vector<1x128xf32>, vector<128x128xf32>, vector<1x128xf32> -> vector<1x128xf32>
    %get3A_14 = arith.constant 0 : index
    %get3A_15 = arith.constant 0 : index
    %get3A_16 = vector.load %arg3[%get3A_14, %get3A_15] : memref<1x128xf32, #tpu.memory_space<vmem>>, vector<1x128xf32>
    %add3A_17 = arith.addf %dot_general3A_13, %get3A_16 : vector<1x128xf32>
    %max3A = arith.constant 0.000000e+00 : f32
    %max3A_18 = vector.broadcast %max3A : f32 to vector<1x128xf32>
    %max3A_19 = arith.maximumf %add3A_17, %max3A_18 : vector<1x128xf32>
    %iota3A = tpu.iota {dimensions = array<i32: 1>} : vector<1x128xi32>
    %lt3A = arith.constant 64 : i32
    %lt3A_20 = vector.broadcast %lt3A : i32 to vector<1x128xi32>
    %lt3A_21 = arith.cmpi slt, %iota3A, %lt3A_20 : vector<1x128xi32>
    %convert_element_type3A = arith.extui %lt3A_21 : vector<1x128xi1> to vector<1x128xi32>
    %convert_element_type3A_22 = arith.sitofp %convert_element_type3A : vector<1x128xi32> to vector<1x128xf32>
    %mul3A = arith.mulf %max3A_19, %convert_element_type3A_22 : vector<1x128xf32>
    %reduce_sum3A = vector.shape_cast %mul3A : vector<1x128xf32> to vector<1x1x128xf32>
    %reduce_sum3A_23 = arith.constant dense<0.000000e+00> : vector<1xf32>
    %reduce_sum3A_24 = vector.multi_reduction <add>, %reduce_sum3A, %reduce_sum3A_23 [1, 2] : vector<1x1x128xf32> to vector<1xf32>
    %reduce_sum3A_25 = vector.shape_cast %reduce_sum3A_24 : vector<1xf32> to vector<1x1x1xf32>
    %reduce_sum3A_26 = vector.extract %reduce_sum3A_25[0, 0, 0] : f32 from vector<1x1x1xf32>
    %div3A_27 = arith.constant 6.400000e+01 : f32
    %div3A_28 = arith.divf %reduce_sum3A_26, %div3A_27 : f32
    %sub3A = vector.broadcast %div3A_28 : f32 to vector<1x128xf32>
    %sub3A_29 = arith.subf %max3A_19, %sub3A : vector<1x128xf32>
    %mul3A_30 = arith.mulf %sub3A_29, %convert_element_type3A_22 : vector<1x128xf32>
    %integer_pow3A = arith.mulf %mul3A_30, %mul3A_30 : vector<1x128xf32>
    %reduce_sum3A_31 = vector.shape_cast %integer_pow3A : vector<1x128xf32> to vector<1x1x128xf32>
    %reduce_sum3A_32 = arith.constant dense<0.000000e+00> : vector<1xf32>
    %reduce_sum3A_33 = vector.multi_reduction <add>, %reduce_sum3A_31, %reduce_sum3A_32 [1, 2] : vector<1x1x128xf32> to vector<1xf32>
    %reduce_sum3A_34 = vector.shape_cast %reduce_sum3A_33 : vector<1xf32> to vector<1x1x1xf32>
    %reduce_sum3A_35 = vector.extract %reduce_sum3A_34[0, 0, 0] : f32 from vector<1x1x1xf32>
    %div3A_36 = arith.constant 6.400000e+01 : f32
    %div3A_37 = arith.divf %reduce_sum3A_35, %div3A_36 : f32
    %sub3A_38 = vector.broadcast %div3A_28 : f32 to vector<1x128xf32>
    %sub3A_39 = arith.subf %max3A_19, %sub3A_38 : vector<1x128xf32>
    %add3A_40 = arith.constant 9.99999974E-6 : f32
    %add3A_41 = arith.addf %div3A_37, %add3A_40 : f32
    %rsqrt3A = math.rsqrt %add3A_41 : f32
    %mul3A_42 = vector.broadcast %rsqrt3A : f32 to vector<1x128xf32>
    %mul3A_43 = arith.mulf %sub3A_39, %mul3A_42 : vector<1x128xf32>
    %mul3A_44 = arith.mulf %mul3A_43, %convert_element_type3A_22 : vector<1x128xf32>
    %get3A_45 = arith.constant 0 : index
    %get3A_46 = arith.constant 0 : index
    %get3A_47 = vector.load %arg4[%get3A_45, %get3A_46] : memref<128x128xf32, #tpu.memory_space<vmem>>, vector<128x128xf32>
    %dot_general3A_48 = arith.constant dense<0.000000e+00> : vector<1x128xf32>
    %dot_general3A_49 = tpu.matmul %mul3A_44, %get3A_47, %dot_general3A_48 {dimension_numbers = #tpu.dot_dimension_numbers<[1], [0], [0], [1], [0, 0, 1, 1], [], []>, transpose_lhs_hint = false} : vector<1x128xf32>, vector<128x128xf32>, vector<1x128xf32> -> vector<1x128xf32>
    %get3A_50 = arith.constant 0 : index
    %get3A_51 = arith.constant 0 : index
    %get3A_52 = vector.load %arg5[%get3A_50, %get3A_51] : memref<1x128xf32, #tpu.memory_space<vmem>>, vector<1x128xf32>
    %add3A_53 = arith.addf %dot_general3A_49, %get3A_52 : vector<1x128xf32>
    %lt3A_54 = arith.constant 6 : i32
    %lt3A_55 = vector.broadcast %lt3A_54 : i32 to vector<1x128xi32>
    %lt3A_56 = arith.cmpi slt, %iota3A, %lt3A_55 : vector<1x128xi32>
    %jit3A = arith.constant 0xFF800000 : f32
    %broadcast_in_dim3A = vector.broadcast %jit3A : f32 to vector<1x128xf32>
    %select_n3A = arith.select %lt3A_56, %add3A_53, %broadcast_in_dim3A : vector<1x128xi1>, vector<1x128xf32>
    %reduce_max3A = vector.shape_cast %select_n3A : vector<1x128xf32> to vector<1x1x128xf32>
    %reduce_max3A_57 = arith.constant dense<0xFF800000> : vector<1xf32>
    %reduce_max3A_58 = vector.multi_reduction <maximumf>, %reduce_max3A, %reduce_max3A_57 [1, 2] : vector<1x1x128xf32> to vector<1xf32>
    %reduce_max3A_59 = vector.shape_cast %reduce_max3A_58 : vector<1xf32> to vector<1x1x1xf32>
    %reduce_max3A_60 = vector.extract %reduce_max3A_59[0, 0, 0] : f32 from vector<1x1x1xf32>
    %sub3A_61 = vector.broadcast %reduce_max3A_60 : f32 to vector<1x128xf32>
    %sub3A_62 = arith.subf %select_n3A, %sub3A_61 : vector<1x128xf32>
    %exp3A = math.exp %sub3A_62 : vector<1x128xf32>
    %reduce_sum3A_63 = vector.shape_cast %exp3A : vector<1x128xf32> to vector<1x1x128xf32>
    %reduce_sum3A_64 = arith.constant dense<0.000000e+00> : vector<1xf32>
    %reduce_sum3A_65 = vector.multi_reduction <add>, %reduce_sum3A_63, %reduce_sum3A_64 [1, 2] : vector<1x1x128xf32> to vector<1xf32>
    %reduce_sum3A_66 = vector.shape_cast %reduce_sum3A_65 : vector<1xf32> to vector<1x1x1xf32>
    %reduce_sum3A_67 = vector.extract %reduce_sum3A_66[0, 0, 0] : f32 from vector<1x1x1xf32>
    %div3A_68 = vector.broadcast %reduce_sum3A_67 : f32 to vector<1x128xf32>
    %div3A_69 = arith.divf %exp3A, %div3A_68 : vector<1x128xf32>
    %swap3A = arith.constant 0 : index
    %swap3A_70 = arith.constant 0 : index
    %swap3A_71 = vector.load %arg6[%swap3A, %swap3A_70] : memref<1x128xf32, #tpu.memory_space<vmem>>, vector<1x128xf32>
    tpu.vector_store %arg6[%swap3A, %swap3A_70], %div3A_69 {strides = array<i32>} : memref<1x128xf32, #tpu.memory_space<vmem>>, vector<1x128xf32>,
    return
  }
}

</mosaic_0001>

<sc_bundles>
// kernel: kernel.12.cloned.1.call-start
scs
__scs_entry_jumppad:
0x0: {  	(pc) =	sbr.rel $0x88, $3  }
0x1: {  	(tag) =	ssettag $0x0;
	lr =	simm.s32 $0x1  }
0x2: {  	[smem:$0x3F94] =	sst lr;
	_ =	strace $0xD0000000  }
0x3: {  	_ = 	snop  }
0x4: {  	_ = 	snop  }
0x5: {  	_ = 	snop  }
0x6: {  	_ = 	snop  }
0x7: {  	_ = 	snop  }
__scs_overlays_trampoline_lowered:
0x8: {  	[smem:$0x3FA3] =	sst s0  }
0x9: {  	[smem:$0x3FA4] =	sst s1  }
0xa: {  	[smem:$0x3FA5] =	sst s2  }
0xb: {  	[smem:$0x3FA6] =	sst s3  }
0xc: {  	[smem:$0x3FA7] =	sst s4  }
0xd: {  	[smem:$0x3FA8] =	sst s5  }
0xe: {  	[smem:$0x3FA9] =	sst s6  }
0xf: {  	[smem:$0x3FAA] =	sst s7  }
0x10: {  	[smem:$0x3FAB] =	sst s8  }
0x11: {  	[smem:$0x3FAC] =	sst s9;
	s0 =	simm.s32 @!p0 $0x0  }
0x12: {  	s1 =	sld [smem:$0x3F92];
	s0 =	simm.s32 @p0 $0x1  }
0x13: {  	[smem:$0x3FAD] =	sst s0;
	s0 =	simm.s32 @!p1 $0x0  }
0x14: {  	s2 =	sld [smem:$0x3F91];
	s0 =	simm.s32 @p1 $0x1  }
0x15: {  	[smem:$0x3FAE] =	sst s0;
	s0 =	simm.s32 @!p2 $0x0  }
0x16: {  	s3 =	sld [smem:$0x3FDB];
	s0 =	simm.s32 @p2 $0x1  }
0x17: {  	s4 =	simm.s32 $0x1BF5;
	[smem:$0x3FB0] =	sst s0  }
0x18: {  	s0 =	sld [smem:$0x3F93];
	_ =	swait.ge [sflag:s4], $0x0  }
0x19: {  	s7 =	sld [smem:$0x3F94]  }
0x1a: {  	s8 =	sadd.s32 $0xFFFFE003, lr  }
0x1b: {  	s9 =	sadd.s32 $0xFFFFFEF7, lr;
	s5 =	simm.s32 $0xFFFFFFFF;
	p2 =	slt.u32 s8, $0xFFFFF086  }
0x1c: {  	p1 =	slt.u32 s9, $0xF7A;
	s5 =	simm.s32 @!p2 $0x0  }
0x1d: {  	s5 =	simm.s32 @p1 $0x1;
	p0 =	seq.s32 s7, s2  }
0x1e: {  	s7 =	smul.u32 @!p0 $0xF7A, s2;
	p2 =	seq.s32 @!p0 s5, $0x0  }
0x1f: {  	s9 =	smul.u32 $0xF7A, s1;
	s8 =	simm.s32 @!p0 $0x1BF5;
	p2 =	por !p2, p0  }
0x20: {  	[sflag:s8] =	ssyncset.s32 @!p0 $0xFFFFF086;
	s6 =	sadd.s32 @!p0 s3, s7;
	s7 =	simm.s32 @!p0 $0x108  }
0x21: {  	s3 =	sadd.s32 s3, s9;
	s6 =	sadd.s32 @!p0 $0x88, s6;
	s7 =	simm.s32 @p2 $0x1082  }
0x22: {  	[simem:s7], [sflag:s8] =	dma.local @!p0 [hbm:s6], $0xF7A  }
0x23: {  	s9 =	sor.u32 $0xD0000000, s2;
	s6 =	simm.s32 $0x108;
	_ =	swait.ge @!p0 [sflag:s8], $0x0  }
0x24: {  	s3 =	sadd.s32 $0x88, s3;
	s6 =	simm.s32 @!p1 $0x1082;
	[sflag:s4] =	ssyncset.s32 $0xFFFFF086  }
0x25: {  	[simem:s6], [sflag:s4] =	dma.local [hbm:s3], $0xF7A  }
0x26: {  	[smem:$0x3F94] =	sst s1;
	(tag) =	ssettag s2;
	_ =	strace s9  }
0x27: {  	s1 =	sld [smem:$0x3FA4]  }
0x28: {  	s2 =	sld [smem:$0x3FA5]  }
0x29: {  	s4 =	sld [smem:$0x3FA7]  }
0x2a: {  	p0 =	seq.s32 s5, $0x0;
	s5 =	sld [smem:$0x3FA8]  }
0x2b: {  	s6 =	sld [smem:$0x3FA9]  }
0x2c: {  	s7 =	sld [smem:$0x3FAA]  }
0x2d: {  	s3 =	simm.s32 $0x108;
	s8 =	sld [smem:$0x3FAB]  }
0x2e: {  	s3 =	simm.s32 @!p0 $0x1082;
	s9 =	sld [smem:$0x3FAC]  }
0x2f: {  	lr =	sadd.s32 s0, s3;
	s0 =	sld [smem:$0x3FA3]  }
0x30: {  	s3 =	sld [smem:$0x3FA6]  }
0x31: {  	[smem:$0x3FAF] =	sst s10  }
0x32: {  	s10 =	sld [smem:$0x3FAD];
	_ =	sdelay $0x3  }
0x33: {  	p0 =	seq.s32 s10, $0x1;
	s10 =	sld [smem:$0x3FAF];
	_ =	sdelay $0x3  }
0x34: {  	[smem:$0x3FAF] =	sst s10  }
0x35: {  	s10 =	sld [smem:$0x3FAE];
	_ =	sdelay $0x3  }
0x36: {  	p1 =	seq.s32 s10, $0x1;
	s10 =	sld [smem:$0x3FAF];
	_ =	sdelay $0x3  }
0x37: {  	[smem:$0x3FAF] =	sst s10  }
0x38: {  	s10 =	sld [smem:$0x3FB0]  }
0x39: {  	_ = 	snop;
	(pc) =	sbr.ind lr, $3  }
0x3a: {  	_ = 	snop  }
0x3b: {  	_ = 	snop  }
0x3c: {  	p2 =	seq.s32 s10, $0x1;
	s10 =	sld [smem:$0x3FAF]  }
0x3d: {  	_ =	shalt  }
0x3e: {  	_ =	shalt  }
0x3f: {  	_ =	shalt  }
0x40: {  	_ =	shalt  }
0x41: {  	_ =	shalt  }
0x42: {  	_ =	shalt  }
0x43: {  	_ =	shalt  }
0x44: {  	_ =	shalt  }
0x45: {  	_ =	shalt  }
0x46: {  	_ =	shalt  }
0x47: {  	_ =	shalt  }
0x48: {  	_ =	shalt  }
0x49: {  	_ =	shalt  }
0x4a: {  	_ =	shalt  }
0x4b: {  	_ =	shalt  }
0x4c: {  	_ =	shalt  }
0x4d: {  	_ =	shalt  }
0x4e: {  	_ =	shalt  }
0x4f: {  	_ =	shalt  }
0x50: {  	_ =	shalt  }
0x51: {  	_ =	shalt  }
0x52: {  	_ =	shalt  }
0x53: {  	_ =	shalt  }
0x54: {  	_ =	shalt  }
0x55: {  	_ =	shalt  }
0x56: {  	_ =	shalt  }
0x57: {  	_ =	shalt  }
0x58: {  	_ =	shalt  }
0x59: {  	_ =	shalt  }
0x5a: {  	_ =	shalt  }
0x5b: {  	_ =	shalt  }
0x5c: {  	_ =	shalt  }
0x5d: {  	_ =	shalt  }
0x5e: {  	_ =	shalt  }
0x5f: {  	_ =	shalt  }
0x60: {  	_ =	shalt  }
0x61: {  	_ =	shalt  }
0x62: {  	_ =	shalt  }
0x63: {  	_ =	shalt  }
0x64: {  	_ =	shalt  }
0x65: {  	_ =	shalt  }
0x66: {  	_ =	shalt  }
0x67: {  	_ =	shalt  }
0x68: {  	_ =	shalt  }
0x69: {  	_ =	shalt  }
0x6a: {  	_ =	shalt  }
0x6b: {  	_ =	shalt  }
0x6c: {  	_ =	shalt  }
0x6d: {  	_ =	shalt  }
0x6e: {  	_ =	shalt  }
0x6f: {  	_ =	shalt  }
0x70: {  	_ =	shalt  }
0x71: {  	_ =	shalt  }
0x72: {  	_ =	shalt  }
0x73: {  	_ =	shalt  }
0x74: {  	_ =	shalt  }
0x75: {  	_ =	shalt  }
0x76: {  	_ =	shalt  }
0x77: {  	_ =	shalt  }
0x78: {  	_ =	shalt  }
0x79: {  	_ =	shalt  }
0x7a: {  	_ =	shalt  }
0x7b: {  	_ =	shalt  }
0x7c: {  	_ =	shalt  }
0x7d: {  	_ =	shalt  }
0x7e: {  	_ =	shalt  }
0x7f: {  	_ =	shalt  }
0x80: {  	_ =	shalt  }
0x81: {  	_ =	shalt  }
0x82: {  	_ =	shalt  }
0x83: {  	_ =	shalt  }
0x84: {  	_ =	shalt  }
0x85: {  	_ =	shalt  }
0x86: {  	_ =	shalt  }
0x87: {  	_ =	shalt  }
.Lfunc_end0:
.L_simem_size_0:
called_computation_lowered:
.L_overlay_start_0:
0x88: {  	s2 =	sld [smem:$0x3FD9]  }
0x89: {  	s3 =	sld [smem:$0x3FFE];
	_ =	sdelay $0x1  }
0x8a: {  	s1 =	srdreg.scid  }
0x8b: {  	s0 =	sand.u32 $0x1, s1  }
0x8c: {  	s16 =	sshll.u32 s0, $0xA;
	s2 =	sadd.s32 s3, s2  }
0x8d: {  	s2 =	sadd.s32 s2, s16  }
0x8e: {  	[smem:$0x3FBB] =	sst s2  }
0x8f: {  	_ = 	snop  }
0x90: {  	(tm) =	ssettm $0x1  }
0x91: {  	s17 =	sld [smem:$0x3FFB];
	_ =	sdelay $0x3  }
0x92: {  	_ =	strace s17  }
0x93: {  	s2 =	sld [smem:$0x3FFC];
	_ =	sdelay $0x3  }
0x94: {  	_ =	strace s2  }
0x95: {  	s2 =	sld [smem:$0x3FFD];
	_ =	sdelay $0x3  }
0x96: {  	_ =	strace s2  }
0x97: {  	_ =	strace $0x8FFFFFFF  }
0x98: {  	s18 =	sld [smem:$0x3FDB];
	_ =	sdelay $0x1  }
0x99: {  	s19 =	simm.s32 $_scs_section_size  }
0x9a: {  	s4 =	simm.s32 $_size__tile_overlayer_lowered;
	s5 =	simm.s32 $_tile_overlayer_lowered  }
0x9b: {  	s22 =	simm.s32 $0x1BFF;
	s21 =	sshll.u32 s5, $0x1;
	s2 =	sadd.s32 s19, s18  }
0x9c: {  	s6 =	simm.s32 $0x0;
	s20 =	sshll.u32 s4, $0x1;
	s4 =	sadd.s32 s21, s2  }
0x9d: {  	[timem:s6], [sflag:s22] =	dma.local [hbm:s4], s20  }
0x9e: {  	_ =	swait.ge [sflag:s22], s20  }
0x9f: {  	s3 =	ssub.s32 $0x0, s20;
	[sflag:s22] =	ssyncset.done $0x0  }
0xa0: {  	[sflag:s22] =	ssyncadd.s32 s3;
	_ =	sdelay $0x1  }
0xa1: {  	s23 =	simm.s32 $0x1B8B  }
0xa2: {  	_ =	swait.ge [sflag:s23], $0x1  }
0xa3: {  	[sflag:s23] =	ssyncset.done $0x0  }
0xa4: {  	s25 =	simm.s32 $0x1B8E;
	s24 =	sld [smem:$0x3FFE];
	[sflag:s23] =	ssyncadd.s32 $0xFFFFFFFF  }
0xa5: {  	s26 =	simm.s32 $execute0_lowered;
	[smem:$0x3FD2] =	sst s25  }
0xa6: {  	s4 =	sshll.u32 s26, $0x1;
	_ =	strace $0x80000046;
	[dreg:$0x1] =	wrdreg $0xFFFFFFFF  }
0xa7: {  	s28 =	simm.s32 $_size_execute0_lowered;
	s2 =	sadd.s32 s2, s4;
	[dreg:$0x0] =	wrdreg $0x0  }
0xa8: {  	s4 =	sshll.u32 s28, $0x1;
	[dreg:$0x2] =	wrdreg s2  }
0xa9: {  	[dreg:$0x3] =	wrdreg s4  }
0xaa: {  	[dreg:$0x4] =	wrdreg $0xC0  }
0xab: {  	_ =	task [dreg:s6], $0x5FFFF  }
0xac: {  	[dreg:$0x1] =	wrdreg $0xFFFFFFFF  }
0xad: {  	[dreg:$0x0] =	wrdreg $0x60  }
0xae: {  	[dreg:$0x2] =	wrdreg s24  }
0xaf: {  	[dreg:$0x3] =	wrdreg $0x98000  }
0xb0: {  	[dreg:$0x4] =	wrdreg $0x9  }
0xb1: {  	_ =	task.clear_ibuf [dreg:s6], $0x5FFFF;
	_ =	strace $0x90000046  }
0xb2: {  	s29 =	simm.s32 $0x9;
	_ =	strace $0x80000048  }
0xb3: {  	_ =	swait.ge [sflag:s29], $0x1  }
0xb4: {  	[sflag:s29] =	ssyncadd.s32 $0xFFFFFFFF  }
0xb5: {  	_ =	strace $0x90000048  }
0xb6: {  	_ =	sfence  }
0xb7: {  	s30 =	sld [smem:$0x0];
	_ =	sdelay $0x2  }
0xb8: {  	s31 =	sshll.u32 s1, $0xD;
	s1 =	sshrl.u32 s1, $0x2  }
0xb9: {  	s3 =	sand.u32 $0x4000, s31;
	s1 =	sadd.s32 s1, s30  }
0xba: {  	s0 =	sor.u32 s3, s0;
	s1 =	sshll.u32 s1, $0x11  }
0xbb: {  	s0 =	sor.u32 s1, s0  }
0xbc: {  	s0 =	sadd.s32 $0x8F2B, s0  }
0xbd: {  	[sflag:s0] =	ssyncadd.remote.s32 $0x1  }
0xbe: {  	_ =	sfence.sel $0xFFFF  }
0xbf: {  	[dreg:$0x0] =	wrdreg $0xFFFFFFFF;
	(pc) =	sbr.abs _section_cstart, $3  }
0xc0: {  	[dreg:$0x1] =	wrdreg $0xFFFFFFFF  }
0xc1: {  	_ =	task.clear_ibuf [dreg:s6], $0x2FFFF;
	_ =	strace $0x9FFFFFFF  }
0xc2: {  	(tm) =	ssettm $0x7FFFFFFF  }
0xc3: {  	_ =	shalt  }
tec
execute0_lowered:
.L_overlay_start_1:
0x0: {  	(tag) =	ssettag $0x1  }
0x1: {  	s6 =	rddreg [dreg:$0x0]  }
0x2: {  	s0 =	srdreg.scid;
	s2 =	rddreg [dreg:$0x1]  }
0x3: {  	s3 =	simm.s32 $0x0;
	s14 =	simm.s32 $0x40;
	s15 =	simm.s32 $0x5000  }
0x4: {  	s16 =	simm.s32 $0x7400;
	s17 =	simm.s32 $0x1;
	s18 =	simm.s32 $0x2  }
0x5: {  	s19 =	simm.s32 $0x27C0;
	s20 =	simm.s32 $0x4F80;
	s21 =	simm.s32 $0x4FC0  }
0x6: {  	s22 =	simm.s32 $0x0;
	s5 =	sand.u32 $0x1, s0;
	s0 =	stileid.u32  }
0x7: {  	[smem:$0x7FF] =	sst s3;
	s4 =	sadd.s32 $0xA00, s6;
	s8 =	smul.u32 $0x16380, s0  }
0x8: {  	s1 =	sshll.u32 s5, $0x4;
	s9 =	smul.u32 $0x163800, s5;
	s30 =	ssub.s32 $0x2, s5  }
0x9: {  	s5 =	sadd.s32 $0x41200, s6;
	s31 =	sshll.u32 s0, $0x6;
	s1 =	sor.u32 s0, s1  }
0xa: {  	s11 =	sshrl.u32 s30, $0x1;
	s7 =	smul.u32 $0x500, s1;
	s1 =	rddreg [dreg:$0x2]  }
0xb: {  	_ =	strace $0x80000047;
	s29 =	sadd.s32 s8, s9;
	s11 =	ssub.s32 s30, s11  }
0xc: {  	s13 =	sadd.s32 s8, s2;
	s10 =	sadd.s32 s7, s6;
	s7 =	sshrl.u32 s29, $0x3  }
0xd: {  	s12 =	sadd.s32 s7, s6;
	s6 =	sor.u32 $0x1C03, s31;
	s7 =	sadd.s32 $0x37200, s10  }
0xe: {  	s8 =	sadd.s32 $0x2D200, s10;
	s10 =	smax.u32 s11, $0x1;
	s11 =	sshrl.u32 s13, $0x3  }
0xf: {  	s13 =	simm.s32 $0x2800;
	s9 =	sadd.s32 $0x44000, s12;
	s12 =	simm.s32 $0x3  }
.LBB2_1:
0x10: {  	[spmem:s11], [sflag:s6] =	dma.local [hbm:s5], $0x2C70  }
0x11: {  	_ =	swait.ge [sflag:s12], $0x2C70  }
0x12: {  	[sflag:s12] =	ssyncset.done $0x0  }
0x13: {  	[sflag:s12] =	ssyncadd.s32 $0xFFFFD390  }
0x14: {  	[bflag:$0x0] =	sbarrier.arrive $0xFFFF  }
0x15: {  	[tilespmem:s3], [sflag:$0x3] =	stream.linear.gather [hbm4b:s7+s3], $0x2800, $0x38;
	[tilespmem:$0x1FB80] =	vst v63  }
0x16: {  	_ =	swait.ge [sflag:s12], $0x2800  }
0x17: {  	[sflag:s12] =	ssyncset.done $0x0  }
0x18: {  	[sflag:s12] =	ssyncadd.s32 $0xFFFFD800  }
0x19: {  	[tilespmem:s13], [sflag:$0x3] =	stream.linear.gather [hbm4b:s8+s3], $0x2800, $0x38;
	[tilespmem:$0x1FB80] =	vst v63  }
0x1a: {  	_ =	swait.ge [sflag:s12], $0x2800  }
0x1b: {  	[sflag:s12] =	ssyncset.done $0x0  }
0x1c: {  	[sflag:s12] =	ssyncadd.s32 $0xFFFFD800  }
0x1d: {  	[tilespmem:s15], [sflag:$0x1] =	stream.indirect.gather [hbm4b:s4+s14], $0x90, s3, s14, $0xb8;
	[tilespmem:$0x1FB80] =	vst v63  }
0x1e: {  	s23 =	simm.s32 $0x40  }
0x1f: {  	[tilespmem:s16], [sflag:$0x2] =	stream.indirect.gather [hbm4b:s4+s14], $0x90, s23, s14, $0xb8;
	[tilespmem:$0x1FB80] =	vst v63  }
0x20: {  	_ =	swait.ge [sflag:s17], $0x2400  }
0x21: {  	[sflag:s17] =	ssyncset.done $0x0  }
0x22: {  	s29 =	simm.s32 $0x2800;
	[sflag:s17] =	ssyncadd.s32 $0xFFFFDC00  }
0x23: {  	[spmem:s2] =	stream.indirect.scatter.add.f32 [tilespmem:s15], [sflag:$0x3], $0x90, s29, s14, $0xb8;
	[tilespmem:$0x1FB80] =	vst v63  }
0x24: {  	_ =	swait.ge [sflag:s12], $0x2400  }
0x25: {  	[sflag:s12] =	ssyncset.done $0x0  }
0x26: {  	s30 =	simm.s32 $0x80;
	[sflag:s12] =	ssyncadd.s32 $0xFFFFDC00  }
0x27: {  	[tilespmem:s15], [sflag:$0x1] =	stream.indirect.gather [hbm4b:s4+s14], $0x90, s30, s14, $0xb8;
	[tilespmem:$0x1FB80] =	vst v63  }
0x28: {  	_ =	swait.ge [sflag:s18], $0x2400  }
0x29: {  	[sflag:s18] =	ssyncset.done $0x0  }
0x2a: {  	s31 =	simm.s32 $0x2840;
	[sflag:s18] =	ssyncadd.s32 $0xFFFFDC00  }
0x2b: {  	[spmem:s2] =	stream.indirect.scatter.add.f32 [tilespmem:s16], [sflag:$0x3], $0x90, s31, s14, $0xb8;
	[tilespmem:$0x1FB80] =	vst v63  }
0x2c: {  	_ =	swait.ge [sflag:s12], $0x2400  }
0x2d: {  	s24 =	simm.s32 $0x400;
	s23 =	simm.s32 $0x80;
	[sflag:s12] =	ssyncset.done $0x0  }
.LBB2_2:
0x2e: {  	s25 =	sadd.s32 $0x40, s23  }
0x2f: {  	[sflag:s12] =	ssyncadd.s32 $0xFFFFDC00;
	s26 =	smov.u32 s24;
	s28 =	sadd.s32 $0x200, s24  }
0x30: {  	[tilespmem:s16], [sflag:$0x2] =	stream.indirect.gather [hbm4b:s4+s14], $0x90, s25, s14, $0xb8;
	[tilespmem:$0x1FB80] =	vst v63  }
0x31: {  	p0 =	sne.s32 s24, $0x9C00;
	_ =	swait.ge [sflag:s17], $0x2400  }
0x32: {  	[sflag:s17] =	ssyncset.done $0x0  }
0x33: {  	s24 =	sadd.s32 $0x2800, s23;
	[sflag:s17] =	ssyncadd.s32 $0xFFFFDC00  }
0x34: {  	[spmem:s2] =	stream.indirect.scatter.add.f32 [tilespmem:s15], [sflag:$0x3], $0x90, s24, s14, $0xb8;
	[tilespmem:$0x1FB80] =	vst v63  }
0x35: {  	_ =	swait.ge [sflag:s12], $0x2400  }
0x36: {  	[sflag:s12] =	ssyncset.done $0x0  }
0x37: {  	s24 =	sadd.s32 $0x80, s23;
	[sflag:s12] =	ssyncadd.s32 $0xFFFFDC00  }
0x38: {  	[tilespmem:s15], [sflag:$0x1] =	stream.indirect.gather [hbm4b:s4+s14], $0x90, s24, s14, $0xb8;
	[tilespmem:$0x1FB80] =	vst v63  }
0x39: {  	_ =	swait.ge [sflag:s18], $0x2400  }
.Ltmp0:
0x3a: {  	[sflag:s18] =	ssyncset.done $0x0;
	(pc) =	sbr.rel @p0 .LBB2_2-.Ltmp0, $4  }
0x3b: {  	s23 =	sadd.s32 $0x2840, s23;
	[sflag:s18] =	ssyncadd.s32 $0xFFFFDC00  }
0x3c: {  	[spmem:s2] =	stream.indirect.scatter.add.f32 [tilespmem:s16], [sflag:$0x3], $0x90, s23, s14, $0xb8;
	[tilespmem:$0x1FB80] =	vst v63  }
0x3d: {  	_ =	swait.ge [sflag:s12], $0x2400  }
0x3e: {  	s24 =	smov.u32 s28;
	s23 =	sshra.s32 s26, $0x2;
	[sflag:s12] =	ssyncset.done $0x0  }
0x3f: {  	s24 =	sadd.s32 $0x40, s23;
	[sflag:s12] =	ssyncadd.s32 $0xFFFFDC00  }
0x40: {  	[tilespmem:s16], [sflag:$0x2] =	stream.indirect.gather [hbm4b:s4+s14], $0x90, s24, s14, $0xb8;
	[tilespmem:$0x1FB80] =	vst v63  }
0x41: {  	_ =	swait.ge [sflag:s17], $0x2400  }
0x42: {  	[sflag:s17] =	ssyncset.done $0x0  }
0x43: {  	s29 =	sadd.s32 $0x2800, s23;
	[sflag:s17] =	ssyncadd.s32 $0xFFFFDC00  }
0x44: {  	[spmem:s2] =	stream.indirect.scatter.add.f32 [tilespmem:s15], [sflag:$0x3], $0x90, s29, s14, $0xb8;
	[tilespmem:$0x1FB80] =	vst v63  }
0x45: {  	_ =	swait.ge [sflag:s12], $0x2400  }
0x46: {  	[sflag:s12] =	ssyncset.done $0x0  }
0x47: {  	s30 =	sadd.s32 $0x80, s23;
	[sflag:s12] =	ssyncadd.s32 $0xFFFFDC00  }
0x48: {  	[tilespmem:s15], [sflag:$0x1] =	stream.indirect.gather [hbm4b:s4+s14], $0x90, s30, s14, $0xb8;
	[tilespmem:$0x1FB80] =	vst v63  }
0x49: {  	_ =	swait.ge [sflag:s18], $0x2400  }
0x4a: {  	[sflag:s18] =	ssyncset.done $0x0  }
0x4b: {  	s31 =	sadd.s32 $0x2840, s23;
	[sflag:s18] =	ssyncadd.s32 $0xFFFFDC00  }
0x4c: {  	[spmem:s2] =	stream.indirect.scatter.add.f32 [tilespmem:s16], [sflag:$0x3], $0x90, s31, s14, $0xb8;
	[tilespmem:$0x1FB80] =	vst v63  }
0x4d: {  	_ =	swait.ge [sflag:s12], $0x2400  }
0x4e: {  	[sflag:s12] =	ssyncset.done $0x0  }
0x4f: {  	[sflag:s12] =	ssyncadd.s32 $0xFFFFDC00  }
0x50: {  	[tilespmem:s16], [sflag:$0x2] =	stream.indirect.gather [hbm4b:s4+s14], $0x90, s19, s14, $0xb8;
	[tilespmem:$0x1FB80] =	vst v63  }
0x51: {  	_ =	swait.ge [sflag:s17], $0x2400  }
0x52: {  	[sflag:s17] =	ssyncset.done $0x0  }
0x53: {  	[sflag:s17] =	ssyncadd.s32 $0xFFFFDC00  }
0x54: {  	[spmem:s2] =	stream.indirect.scatter.add.f32 [tilespmem:s15], [sflag:$0x3], $0x90, s20, s14, $0xb8;
	[tilespmem:$0x1FB80] =	vst v63  }
0x55: {  	_ =	swait.ge [sflag:s12], $0x2400  }
0x56: {  	[sflag:s12] =	ssyncset.done $0x0  }
0x57: {  	[sflag:s12] =	ssyncadd.s32 $0xFFFFDC00  }
0x58: {  	_ =	swait.ge [sflag:s18], $0x2400  }
0x59: {  	[sflag:s18] =	ssyncset.done $0x0  }
0x5a: {  	[sflag:s18] =	ssyncadd.s32 $0xFFFFDC00  }
0x5b: {  	[spmem:s2] =	stream.indirect.scatter.add.f32 [tilespmem:s16], [sflag:$0x3], $0x90, s21, s14, $0xb8;
	[tilespmem:$0x1FB80] =	vst v63  }
0x5c: {  	_ =	swait.ge [sflag:s12], $0x2400  }
0x5d: {  	s22 =	sadd.s32 $0x1, s22;
	[sflag:s12] =	ssyncset.done $0x0  }
0x5e: {  	p0 =	sne.s32 s22, s10;
	[sflag:s12] =	ssyncadd.s32 $0xFFFFDC00  }
.Ltmp1:
0x5f: {  	[bflag:$0x0] =	sbarrier.arrive $0xFFFF;
	(pc) =	sbr.rel @p0 .LBB2_1-.Ltmp1, $4  }
0x60: {  	[hbm:s9], [sflag:s6] =	dma.local [spmem:s11], $0x2C70  }
0x61: {  	_ =	swait.ge [sflag:s12], $0x2C70  }
0x62: {  	[sflag:s12] =	ssyncset.done $0x0  }
0x63: {  	[sflag:s12] =	ssyncadd.s32 $0xFFFFD390  }
0x64: {  	_ =	sfence.sel $0x180000  }
0x65: {  	[bflag:$0x0] =	sbarrier.arrive $0xFFFF  }
0x66: {  	p0 =	sne.s32 s0, $0x0;
	_ =	strace $0x90000047  }
0x67: {  	s0 =	sadd.s32 @!p0 $0x100000, s1;
	[bflag:$0x2] =	sbarrier.arrive $0xFFFF  }
0x68: {  	[sflag:s0] =	ssyncadd.tile.s32 @!p0 $0x1;
	_ =	shalt  }
.Lfunc_end2:
_tile_overlayer_lowered:
.L_overlay_start_2:
0x69: {  	(tag) =	ssettag $0x2  }
0x6a: {  	s0 =	rddreg [dreg:$0x0];
	s2 =	stileid.u32  }
0x6b: {  	s1 =	rddreg [dreg:$0x1];
	p0 =	sne.s32 s2, $0x0  }
0x6c: {  	s3 =	rddreg [dreg:$0x2];
	[bflag:$0x3] =	sbarrier.arrive $0xFFFF;
	s2 =	simm.s32 @!p0 $0x1C03  }
0x6d: {  	[timem:s3], [sflag:s2] =	dma.local @!p0 [hbm:s0], s1  }
0x6e: {  	s0 =	simm.s32 @!p0 $0x3  }
0x6f: {  	_ =	swait.ge @!p0 [sflag:s0], s1  }
0x70: {  	s1 =	ssub.s32 @!p0 $0x0, s1;
	[sflag:s0] =	ssyncset.done @!p0 $0x0  }
0x71: {  	[sflag:s0] =	ssyncadd.s32 @!p0 s1  }
0x72: {  	[bflag:$0x3] =	sbarrier.arrive $0xFFFF  }
0x73: {  	_ =	shalt  }

// kernel: kernel.15.cloned.1.call-start
scs
__scs_entry_jumppad:
0x0: {  	(pc) =	sbr.rel $0x88, $3  }
0x1: {  	(tag) =	ssettag $0x0;
	lr =	simm.s32 $0x1  }
0x2: {  	[smem:$0x3F94] =	sst lr;
	_ =	strace $0xD0000000  }
0x3: {  	_ = 	snop  }
0x4: {  	_ = 	snop  }
0x5: {  	_ = 	snop  }
0x6: {  	_ = 	snop  }
0x7: {  	_ = 	snop  }
__scs_overlays_trampoline_lowered:
0x8: {  	[smem:$0x3FA3] =	sst s0  }
0x9: {  	[smem:$0x3FA4] =	sst s1  }
0xa: {  	[smem:$0x3FA5] =	sst s2  }
0xb: {  	[smem:$0x3FA6] =	sst s3  }
0xc: {  	[smem:$0x3FA7] =	sst s4  }
0xd: {  	[smem:$0x3FA8] =	sst s5  }
0xe: {  	[smem:$0x3FA9] =	sst s6  }
0xf: {  	[smem:$0x3FAA] =	sst s7  }
0x10: {  	[smem:$0x3FAB] =	sst s8  }
0x11: {  	[smem:$0x3FAC] =	sst s9;
	s0 =	simm.s32 @!p0 $0x0  }
0x12: {  	s1 =	sld [smem:$0x3F92];
	s0 =	simm.s32 @p0 $0x1  }
0x13: {  	[smem:$0x3FAD] =	sst s0;
	s0 =	simm.s32 @!p1 $0x0  }
0x14: {  	s2 =	sld [smem:$0x3F91];
	s0 =	simm.s32 @p1 $0x1  }
0x15: {  	[smem:$0x3FAE] =	sst s0;
	s0 =	simm.s32 @!p2 $0x0  }
0x16: {  	s3 =	sld [smem:$0x3FDB];
	s0 =	simm.s32 @p2 $0x1  }
0x17: {  	s4 =	simm.s32 $0x1BF5;
	[smem:$0x3FB0] =	sst s0  }
0x18: {  	s0 =	sld [smem:$0x3F93];
	_ =	swait.ge [sflag:s4], $0x0  }
0x19: {  	s7 =	sld [smem:$0x3F94]  }
0x1a: {  	s8 =	sadd.s32 $0xFFFFE003, lr  }
0x1b: {  	s9 =	sadd.s32 $0xFFFFFEF7, lr;
	s5 =	simm.s32 $0xFFFFFFFF;
	p2 =	slt.u32 s8, $0xFFFFF086  }
0x1c: {  	p1 =	slt.u32 s9, $0xF7A;
	s5 =	simm.s32 @!p2 $0x0  }
0x1d: {  	s5 =	simm.s32 @p1 $0x1;
	p0 =	seq.s32 s7, s2  }
0x1e: {  	s7 =	smul.u32 @!p0 $0xF7A, s2;
	p2 =	seq.s32 @!p0 s5, $0x0  }
0x1f: {  	s9 =	smul.u32 $0xF7A, s1;
	s8 =	simm.s32 @!p0 $0x1BF5;
	p2 =	por !p2, p0  }
0x20: {  	[sflag:s8] =	ssyncset.s32 @!p0 $0xFFFFF086;
	s6 =	sadd.s32 @!p0 s3, s7;
	s7 =	simm.s32 @!p0 $0x108  }
0x21: {  	s3 =	sadd.s32 s3, s9;
	s6 =	sadd.s32 @!p0 $0x88, s6;
	s7 =	simm.s32 @p2 $0x1082  }
0x22: {  	[simem:s7], [sflag:s8] =	dma.local @!p0 [hbm:s6], $0xF7A  }
0x23: {  	s9 =	sor.u32 $0xD0000000, s2;
	s6 =	simm.s32 $0x108;
	_ =	swait.ge @!p0 [sflag:s8], $0x0  }
0x24: {  	s3 =	sadd.s32 $0x88, s3;
	s6 =	simm.s32 @!p1 $0x1082;
	[sflag:s4] =	ssyncset.s32 $0xFFFFF086  }
0x25: {  	[simem:s6], [sflag:s4] =	dma.local [hbm:s3], $0xF7A  }
0x26: {  	[smem:$0x3F94] =	sst s1;
	(tag) =	ssettag s2;
	_ =	strace s9  }
0x27: {  	s1 =	sld [smem:$0x3FA4]  }
0x28: {  	s2 =	sld [smem:$0x3FA5]  }
0x29: {  	s4 =	sld [smem:$0x3FA7]  }
0x2a: {  	p0 =	seq.s32 s5, $0x0;
	s5 =	sld [smem:$0x3FA8]  }
0x2b: {  	s6 =	sld [smem:$0x3FA9]  }
0x2c: {  	s7 =	sld [smem:$0x3FAA]  }
0x2d: {  	s3 =	simm.s32 $0x108;
	s8 =	sld [smem:$0x3FAB]  }
0x2e: {  	s3 =	simm.s32 @!p0 $0x1082;
	s9 =	sld [smem:$0x3FAC]  }
0x2f: {  	lr =	sadd.s32 s0, s3;
	s0 =	sld [smem:$0x3FA3]  }
0x30: {  	s3 =	sld [smem:$0x3FA6]  }
0x31: {  	[smem:$0x3FAF] =	sst s10  }
0x32: {  	s10 =	sld [smem:$0x3FAD];
	_ =	sdelay $0x3  }
0x33: {  	p0 =	seq.s32 s10, $0x1;
	s10 =	sld [smem:$0x3FAF];
	_ =	sdelay $0x3  }
0x34: {  	[smem:$0x3FAF] =	sst s10  }
0x35: {  	s10 =	sld [smem:$0x3FAE];
	_ =	sdelay $0x3  }
0x36: {  	p1 =	seq.s32 s10, $0x1;
	s10 =	sld [smem:$0x3FAF];
	_ =	sdelay $0x3  }
0x37: {  	[smem:$0x3FAF] =	sst s10  }
0x38: {  	s10 =	sld [smem:$0x3FB0]  }
0x39: {  	_ = 	snop;
	(pc) =	sbr.ind lr, $3  }
0x3a: {  	_ = 	snop  }
0x3b: {  	_ = 	snop  }
0x3c: {  	p2 =	seq.s32 s10, $0x1;
	s10 =	sld [smem:$0x3FAF]  }
0x3d: {  	_ =	shalt  }
0x3e: {  	_ =	shalt  }
0x3f: {  	_ =	shalt  }
0x40: {  	_ =	shalt  }
0x41: {  	_ =	shalt  }
0x42: {  	_ =	shalt  }
0x43: {  	_ =	shalt  }
0x44: {  	_ =	shalt  }
0x45: {  	_ =	shalt  }
0x46: {  	_ =	shalt  }
0x47: {  	_ =	shalt  }
0x48: {  	_ =	shalt  }
0x49: {  	_ =	shalt  }
0x4a: {  	_ =	shalt  }
0x4b: {  	_ =	shalt  }
0x4c: {  	_ =	shalt  }
0x4d: {  	_ =	shalt  }
0x4e: {  	_ =	shalt  }
0x4f: {  	_ =	shalt  }
0x50: {  	_ =	shalt  }
0x51: {  	_ =	shalt  }
0x52: {  	_ =	shalt  }
0x53: {  	_ =	shalt  }
0x54: {  	_ =	shalt  }
0x55: {  	_ =	shalt  }
0x56: {  	_ =	shalt  }
0x57: {  	_ =	shalt  }
0x58: {  	_ =	shalt  }
0x59: {  	_ =	shalt  }
0x5a: {  	_ =	shalt  }
0x5b: {  	_ =	shalt  }
0x5c: {  	_ =	shalt  }
0x5d: {  	_ =	shalt  }
0x5e: {  	_ =	shalt  }
0x5f: {  	_ =	shalt  }
0x60: {  	_ =	shalt  }
0x61: {  	_ =	shalt  }
0x62: {  	_ =	shalt  }
0x63: {  	_ =	shalt  }
0x64: {  	_ =	shalt  }
0x65: {  	_ =	shalt  }
0x66: {  	_ =	shalt  }
0x67: {  	_ =	shalt  }
0x68: {  	_ =	shalt  }
0x69: {  	_ =	shalt  }
0x6a: {  	_ =	shalt  }
0x6b: {  	_ =	shalt  }
0x6c: {  	_ =	shalt  }
0x6d: {  	_ =	shalt  }
0x6e: {  	_ =	shalt  }
0x6f: {  	_ =	shalt  }
0x70: {  	_ =	shalt  }
0x71: {  	_ =	shalt  }
0x72: {  	_ =	shalt  }
0x73: {  	_ =	shalt  }
0x74: {  	_ =	shalt  }
0x75: {  	_ =	shalt  }
0x76: {  	_ =	shalt  }
0x77: {  	_ =	shalt  }
0x78: {  	_ =	shalt  }
0x79: {  	_ =	shalt  }
0x7a: {  	_ =	shalt  }
0x7b: {  	_ =	shalt  }
0x7c: {  	_ =	shalt  }
0x7d: {  	_ =	shalt  }
0x7e: {  	_ =	shalt  }
0x7f: {  	_ =	shalt  }
0x80: {  	_ =	shalt  }
0x81: {  	_ =	shalt  }
0x82: {  	_ =	shalt  }
0x83: {  	_ =	shalt  }
0x84: {  	_ =	shalt  }
0x85: {  	_ =	shalt  }
0x86: {  	_ =	shalt  }
0x87: {  	_ =	shalt  }
.Lfunc_end0:
.L_simem_size_0:
called_computation.1_lowered:
.L_overlay_start_0:
0x88: {  	s2 =	sld [smem:$0x3FD9]  }
0x89: {  	s3 =	sld [smem:$0x3FFE];
	_ =	sdelay $0x1  }
0x8a: {  	s1 =	srdreg.scid  }
0x8b: {  	s0 =	sand.u32 $0x1, s1  }
0x8c: {  	s16 =	sshll.u32 s0, $0xA;
	s2 =	sadd.s32 s3, s2  }
0x8d: {  	s2 =	sadd.s32 s2, s16  }
0x8e: {  	[smem:$0x3FBB] =	sst s2  }
0x8f: {  	_ = 	snop  }
0x90: {  	(tm) =	ssettm $0x1  }
0x91: {  	s17 =	sld [smem:$0x3FFB];
	_ =	sdelay $0x3  }
0x92: {  	_ =	strace s17  }
0x93: {  	s2 =	sld [smem:$0x3FFC];
	_ =	sdelay $0x3  }
0x94: {  	_ =	strace s2  }
0x95: {  	s2 =	sld [smem:$0x3FFD];
	_ =	sdelay $0x3  }
0x96: {  	_ =	strace s2  }
0x97: {  	_ =	strace $0x8FFFFFFF  }
0x98: {  	s18 =	sld [smem:$0x3FDB];
	_ =	sdelay $0x1  }
0x99: {  	s19 =	simm.s32 $_scs_section_size  }
0x9a: {  	s4 =	simm.s32 $_size__tile_overlayer_lowered;
	s5 =	simm.s32 $_tile_overlayer_lowered  }
0x9b: {  	s22 =	simm.s32 $0x1BFF;
	s21 =	sshll.u32 s5, $0x1;
	s2 =	sadd.s32 s19, s18  }
0x9c: {  	s6 =	simm.s32 $0x0;
	s20 =	sshll.u32 s4, $0x1;
	s4 =	sadd.s32 s21, s2  }
0x9d: {  	[timem:s6], [sflag:s22] =	dma.local [hbm:s4], s20  }
0x9e: {  	_ =	swait.ge [sflag:s22], s20  }
0x9f: {  	s3 =	ssub.s32 $0x0, s20;
	[sflag:s22] =	ssyncset.done $0x0  }
0xa0: {  	[sflag:s22] =	ssyncadd.s32 s3;
	_ =	sdelay $0x1  }
0xa1: {  	s23 =	simm.s32 $0x1B8B  }
0xa2: {  	_ =	swait.ge [sflag:s23], $0x1  }
0xa3: {  	[sflag:s23] =	ssyncset.done $0x0  }
0xa4: {  	s25 =	simm.s32 $0x1B8E;
	s24 =	sld [smem:$0x3FFE];
	[sflag:s23] =	ssyncadd.s32 $0xFFFFFFFF  }
0xa5: {  	s26 =	simm.s32 $execute0_lowered;
	[smem:$0x3FD2] =	sst s25  }
0xa6: {  	s4 =	sshll.u32 s26, $0x1;
	_ =	strace $0x80000049;
	[dreg:$0x1] =	wrdreg $0xFFFFFFFF  }
0xa7: {  	s28 =	simm.s32 $_size_execute0_lowered;
	s2 =	sadd.s32 s2, s4;
	[dreg:$0x0] =	wrdreg $0x0  }
0xa8: {  	s4 =	sshll.u32 s28, $0x1;
	[dreg:$0x2] =	wrdreg s2  }
0xa9: {  	[dreg:$0x3] =	wrdreg s4  }
0xaa: {  	[dreg:$0x4] =	wrdreg $0xC0  }
0xab: {  	_ =	task [dreg:s6], $0x5FFFF  }
0xac: {  	[dreg:$0x1] =	wrdreg $0xFFFFFFFF  }
0xad: {  	[dreg:$0x0] =	wrdreg $0x60  }
0xae: {  	[dreg:$0x2] =	wrdreg s24  }
0xaf: {  	[dreg:$0x3] =	wrdreg $0x98000  }
0xb0: {  	[dreg:$0x4] =	wrdreg $0x9  }
0xb1: {  	_ =	task.clear_ibuf [dreg:s6], $0x5FFFF;
	_ =	strace $0x90000049  }
0xb2: {  	s29 =	simm.s32 $0x9;
	_ =	strace $0x8000004B  }
0xb3: {  	_ =	swait.ge [sflag:s29], $0x1  }
0xb4: {  	[sflag:s29] =	ssyncadd.s32 $0xFFFFFFFF  }
0xb5: {  	_ =	strace $0x9000004B  }
0xb6: {  	_ =	sfence  }
0xb7: {  	s30 =	sld [smem:$0x0];
	_ =	sdelay $0x2  }
0xb8: {  	s31 =	sshll.u32 s1, $0xD;
	s1 =	sshrl.u32 s1, $0x2  }
0xb9: {  	s3 =	sand.u32 $0x4000, s31;
	s1 =	sadd.s32 s1, s30  }
0xba: {  	s0 =	sor.u32 s3, s0;
	s1 =	sshll.u32 s1, $0x11  }
0xbb: {  	s0 =	sor.u32 s1, s0  }
0xbc: {  	s0 =	sadd.s32 $0x8F2B, s0  }
0xbd: {  	[sflag:s0] =	ssyncadd.remote.s32 $0x1  }
0xbe: {  	_ =	sfence.sel $0xFFFF  }
0xbf: {  	[dreg:$0x0] =	wrdreg $0xFFFFFFFF;
	(pc) =	sbr.abs _section_cstart, $3  }
0xc0: {  	[dreg:$0x1] =	wrdreg $0xFFFFFFFF  }
0xc1: {  	_ =	task.clear_ibuf [dreg:s6], $0x2FFFF;
	_ =	strace $0x9FFFFFFF  }
0xc2: {  	(tm) =	ssettm $0x7FFFFFFF  }
0xc3: {  	_ =	shalt  }
tec
execute0_lowered:
.L_overlay_start_1:
0x0: {  	(tag) =	ssettag $0x1  }
0x1: {  	s6 =	rddreg [dreg:$0x0]  }
0x2: {  	s0 =	srdreg.scid;
	s2 =	rddreg [dreg:$0x1]  }
0x3: {  	s3 =	simm.s32 $0x0;
	s14 =	simm.s32 $0x40;
	s15 =	simm.s32 $0x5000  }
0x4: {  	s16 =	simm.s32 $0x7400;
	s17 =	simm.s32 $0x1;
	s18 =	simm.s32 $0x2  }
0x5: {  	s19 =	simm.s32 $0x27C0;
	s20 =	simm.s32 $0x4F80;
	s21 =	simm.s32 $0x4FC0  }
0x6: {  	s22 =	simm.s32 $0x0;
	s5 =	sand.u32 $0x1, s0;
	s0 =	stileid.u32  }
0x7: {  	[smem:$0x7FF] =	sst s3;
	s4 =	sadd.s32 $0x800, s6;
	s8 =	smul.u32 $0x16380, s0  }
0x8: {  	s1 =	sshll.u32 s5, $0x4;
	s9 =	smul.u32 $0x163800, s5;
	s30 =	ssub.s32 $0x2, s5  }
0x9: {  	s5 =	sadd.s32 $0x41200, s6;
	s31 =	sshll.u32 s0, $0x6;
	s1 =	sor.u32 s0, s1  }
0xa: {  	s11 =	sshrl.u32 s30, $0x1;
	s7 =	smul.u32 $0x500, s1;
	s1 =	rddreg [dreg:$0x2]  }
0xb: {  	_ =	strace $0x8000004A;
	s29 =	sadd.s32 s8, s9;
	s11 =	ssub.s32 s30, s11  }
0xc: {  	s13 =	sadd.s32 s8, s2;
	s10 =	sadd.s32 s7, s6;
	s7 =	sshrl.u32 s29, $0x3  }
0xd: {  	s12 =	sadd.s32 s7, s6;
	s6 =	sor.u32 $0x1C03, s31;
	s7 =	sadd.s32 $0x37200, s10  }
0xe: {  	s8 =	sadd.s32 $0x2D200, s10;
	s10 =	smax.u32 s11, $0x1;
	s11 =	sshrl.u32 s13, $0x3  }
0xf: {  	s13 =	simm.s32 $0x2800;
	s9 =	sadd.s32 $0x44000, s12;
	s12 =	simm.s32 $0x3  }
.LBB2_1:
0x10: {  	[spmem:s11], [sflag:s6] =	dma.local [hbm:s5], $0x2C70  }
0x11: {  	_ =	swait.ge [sflag:s12], $0x2C70  }
0x12: {  	[sflag:s12] =	ssyncset.done $0x0  }
0x13: {  	[sflag:s12] =	ssyncadd.s32 $0xFFFFD390  }
0x14: {  	[bflag:$0x0] =	sbarrier.arrive $0xFFFF  }
0x15: {  	[tilespmem:s3], [sflag:$0x3] =	stream.linear.gather [hbm4b:s7+s3], $0x2800, $0x38;
	[tilespmem:$0x1FB80] =	vst v63  }
0x16: {  	_ =	swait.ge [sflag:s12], $0x2800  }
0x17: {  	[sflag:s12] =	ssyncset.done $0x0  }
0x18: {  	[sflag:s12] =	ssyncadd.s32 $0xFFFFD800  }
0x19: {  	[tilespmem:s13], [sflag:$0x3] =	stream.linear.gather [hbm4b:s8+s3], $0x2800, $0x38;
	[tilespmem:$0x1FB80] =	vst v63  }
0x1a: {  	_ =	swait.ge [sflag:s12], $0x2800  }
0x1b: {  	[sflag:s12] =	ssyncset.done $0x0  }
0x1c: {  	[sflag:s12] =	ssyncadd.s32 $0xFFFFD800  }
0x1d: {  	[tilespmem:s15], [sflag:$0x1] =	stream.indirect.gather [hbm4b:s4+s14], $0x90, s3, s14, $0xb8;
	[tilespmem:$0x1FB80] =	vst v63  }
0x1e: {  	s23 =	simm.s32 $0x40  }
0x1f: {  	[tilespmem:s16], [sflag:$0x2] =	stream.indirect.gather [hbm4b:s4+s14], $0x90, s23, s14, $0xb8;
	[tilespmem:$0x1FB80] =	vst v63  }
0x20: {  	_ =	swait.ge [sflag:s17], $0x2400  }
0x21: {  	[sflag:s17] =	ssyncset.done $0x0  }
0x22: {  	s29 =	simm.s32 $0x2800;
	[sflag:s17] =	ssyncadd.s32 $0xFFFFDC00  }
0x23: {  	[spmem:s2] =	stream.indirect.scatter.add.f32 [tilespmem:s15], [sflag:$0x3], $0x90, s29, s14, $0xb8;
	[tilespmem:$0x1FB80] =	vst v63  }
0x24: {  	_ =	swait.ge [sflag:s12], $0x2400  }
0x25: {  	[sflag:s12] =	ssyncset.done $0x0  }
0x26: {  	s30 =	simm.s32 $0x80;
	[sflag:s12] =	ssyncadd.s32 $0xFFFFDC00  }
0x27: {  	[tilespmem:s15], [sflag:$0x1] =	stream.indirect.gather [hbm4b:s4+s14], $0x90, s30, s14, $0xb8;
	[tilespmem:$0x1FB80] =	vst v63  }
0x28: {  	_ =	swait.ge [sflag:s18], $0x2400  }
0x29: {  	[sflag:s18] =	ssyncset.done $0x0  }
0x2a: {  	s31 =	simm.s32 $0x2840;
	[sflag:s18] =	ssyncadd.s32 $0xFFFFDC00  }
0x2b: {  	[spmem:s2] =	stream.indirect.scatter.add.f32 [tilespmem:s16], [sflag:$0x3], $0x90, s31, s14, $0xb8;
	[tilespmem:$0x1FB80] =	vst v63  }
0x2c: {  	_ =	swait.ge [sflag:s12], $0x2400  }
0x2d: {  	s24 =	simm.s32 $0x400;
	s23 =	simm.s32 $0x80;
	[sflag:s12] =	ssyncset.done $0x0  }
.LBB2_2:
0x2e: {  	s25 =	sadd.s32 $0x40, s23  }
0x2f: {  	[sflag:s12] =	ssyncadd.s32 $0xFFFFDC00;
	s26 =	smov.u32 s24;
	s28 =	sadd.s32 $0x200, s24  }
0x30: {  	[tilespmem:s16], [sflag:$0x2] =	stream.indirect.gather [hbm4b:s4+s14], $0x90, s25, s14, $0xb8;
	[tilespmem:$0x1FB80] =	vst v63  }
0x31: {  	p0 =	sne.s32 s24, $0x9C00;
	_ =	swait.ge [sflag:s17], $0x2400  }
0x32: {  	[sflag:s17] =	ssyncset.done $0x0  }
0x33: {  	s24 =	sadd.s32 $0x2800, s23;
	[sflag:s17] =	ssyncadd.s32 $0xFFFFDC00  }
0x34: {  	[spmem:s2] =	stream.indirect.scatter.add.f32 [tilespmem:s15], [sflag:$0x3], $0x90, s24, s14, $0xb8;
	[tilespmem:$0x1FB80] =	vst v63  }
0x35: {  	_ =	swait.ge [sflag:s12], $0x2400  }
0x36: {  	[sflag:s12] =	ssyncset.done $0x0  }
0x37: {  	s24 =	sadd.s32 $0x80, s23;
	[sflag:s12] =	ssyncadd.s32 $0xFFFFDC00  }
0x38: {  	[tilespmem:s15], [sflag:$0x1] =	stream.indirect.gather [hbm4b:s4+s14], $0x90, s24, s14, $0xb8;
	[tilespmem:$0x1FB80] =	vst v63  }
0x39: {  	_ =	swait.ge [sflag:s18], $0x2400  }
.Ltmp0:
0x3a: {  	[sflag:s18] =	ssyncset.done $0x0;
	(pc) =	sbr.rel @p0 .LBB2_2-.Ltmp0, $4  }
0x3b: {  	s23 =	sadd.s32 $0x2840, s23;
	[sflag:s18] =	ssyncadd.s32 $0xFFFFDC00  }
0x3c: {  	[spmem:s2] =	stream.indirect.scatter.add.f32 [tilespmem:s16], [sflag:$0x3], $0x90, s23, s14, $0xb8;
	[tilespmem:$0x1FB80] =	vst v63  }
0x3d: {  	_ =	swait.ge [sflag:s12], $0x2400  }
0x3e: {  	s24 =	smov.u32 s28;
	s23 =	sshra.s32 s26, $0x2;
	[sflag:s12] =	ssyncset.done $0x0  }
0x3f: {  	s24 =	sadd.s32 $0x40, s23;
	[sflag:s12] =	ssyncadd.s32 $0xFFFFDC00  }
0x40: {  	[tilespmem:s16], [sflag:$0x2] =	stream.indirect.gather [hbm4b:s4+s14], $0x90, s24, s14, $0xb8;
	[tilespmem:$0x1FB80] =	vst v63  }
0x41: {  	_ =	swait.ge [sflag:s17], $0x2400  }
0x42: {  	[sflag:s17] =	ssyncset.done $0x0  }
0x43: {  	s29 =	sadd.s32 $0x2800, s23;
	[sflag:s17] =	ssyncadd.s32 $0xFFFFDC00  }
0x44: {  	[spmem:s2] =	stream.indirect.scatter.add.f32 [tilespmem:s15], [sflag:$0x3], $0x90, s29, s14, $0xb8;
	[tilespmem:$0x1FB80] =	vst v63  }
0x45: {  	_ =	swait.ge [sflag:s12], $0x2400  }
0x46: {  	[sflag:s12] =	ssyncset.done $0x0  }
0x47: {  	s30 =	sadd.s32 $0x80, s23;
	[sflag:s12] =	ssyncadd.s32 $0xFFFFDC00  }
0x48: {  	[tilespmem:s15], [sflag:$0x1] =	stream.indirect.gather [hbm4b:s4+s14], $0x90, s30, s14, $0xb8;
	[tilespmem:$0x1FB80] =	vst v63  }
0x49: {  	_ =	swait.ge [sflag:s18], $0x2400  }
0x4a: {  	[sflag:s18] =	ssyncset.done $0x0  }
0x4b: {  	s31 =	sadd.s32 $0x2840, s23;
	[sflag:s18] =	ssyncadd.s32 $0xFFFFDC00  }
0x4c: {  	[spmem:s2] =	stream.indirect.scatter.add.f32 [tilespmem:s16], [sflag:$0x3], $0x90, s31, s14, $0xb8;
	[tilespmem:$0x1FB80] =	vst v63  }
0x4d: {  	_ =	swait.ge [sflag:s12], $0x2400  }
0x4e: {  	[sflag:s12] =	ssyncset.done $0x0  }
0x4f: {  	[sflag:s12] =	ssyncadd.s32 $0xFFFFDC00  }
0x50: {  	[tilespmem:s16], [sflag:$0x2] =	stream.indirect.gather [hbm4b:s4+s14], $0x90, s19, s14, $0xb8;
	[tilespmem:$0x1FB80] =	vst v63  }
0x51: {  	_ =	swait.ge [sflag:s17], $0x2400  }
0x52: {  	[sflag:s17] =	ssyncset.done $0x0  }
0x53: {  	[sflag:s17] =	ssyncadd.s32 $0xFFFFDC00  }
0x54: {  	[spmem:s2] =	stream.indirect.scatter.add.f32 [tilespmem:s15], [sflag:$0x3], $0x90, s20, s14, $0xb8;
	[tilespmem:$0x1FB80] =	vst v63  }
0x55: {  	_ =	swait.ge [sflag:s12], $0x2400  }
0x56: {  	[sflag:s12] =	ssyncset.done $0x0  }
0x57: {  	[sflag:s12] =	ssyncadd.s32 $0xFFFFDC00  }
0x58: {  	_ =	swait.ge [sflag:s18], $0x2400  }
0x59: {  	[sflag:s18] =	ssyncset.done $0x0  }
0x5a: {  	[sflag:s18] =	ssyncadd.s32 $0xFFFFDC00  }
0x5b: {  	[spmem:s2] =	stream.indirect.scatter.add.f32 [tilespmem:s16], [sflag:$0x3], $0x90, s21, s14, $0xb8;
	[tilespmem:$0x1FB80] =	vst v63  }
0x5c: {  	_ =	swait.ge [sflag:s12], $0x2400  }
0x5d: {  	s22 =	sadd.s32 $0x1, s22;
	[sflag:s12] =	ssyncset.done $0x0  }
0x5e: {  	p0 =	sne.s32 s22, s10;
	[sflag:s12] =	ssyncadd.s32 $0xFFFFDC00  }
.Ltmp1:
0x5f: {  	[bflag:$0x0] =	sbarrier.arrive $0xFFFF;
	(pc) =	sbr.rel @p0 .LBB2_1-.Ltmp1, $4  }
0x60: {  	[hbm:s9], [sflag:s6] =	dma.local [spmem:s11], $0x2C70  }
0x61: {  	_ =	swait.ge [sflag:s12], $0x2C70  }
0x62: {  	[sflag:s12] =	ssyncset.done $0x0  }
0x63: {  	[sflag:s12] =	ssyncadd.s32 $0xFFFFD390  }
0x64: {  	_ =	sfence.sel $0x180000  }
0x65: {  	[bflag:$0x0] =	sbarrier.arrive $0xFFFF  }
0x66: {  	p0 =	sne.s32 s0, $0x0;
	_ =	strace $0x9000004A  }
0x67: {  	s0 =	sadd.s32 @!p0 $0x100000, s1;
	[bflag:$0x2] =	sbarrier.arrive $0xFFFF  }
0x68: {  	[sflag:s0] =	ssyncadd.tile.s32 @!p0 $0x1;
	_ =	shalt  }
.Lfunc_end2:
_tile_overlayer_lowered:
.L_overlay_start_2:
0x69: {  	(tag) =	ssettag $0x2  }
0x6a: {  	s0 =	rddreg [dreg:$0x0];
	s2 =	stileid.u32  }
0x6b: {  	s1 =	rddreg [dreg:$0x1];
	p0 =	sne.s32 s2, $0x0  }
0x6c: {  	s3 =	rddreg [dreg:$0x2];
	[bflag:$0x3] =	sbarrier.arrive $0xFFFF;
	s2 =	simm.s32 @!p0 $0x1C03  }
0x6d: {  	[timem:s3], [sflag:s2] =	dma.local @!p0 [hbm:s0], s1  }
0x6e: {  	s0 =	simm.s32 @!p0 $0x3  }
0x6f: {  	_ =	swait.ge @!p0 [sflag:s0], s1  }
0x70: {  	s1 =	ssub.s32 @!p0 $0x0, s1;
	[sflag:s0] =	ssyncset.done @!p0 $0x0  }
0x71: {  	[sflag:s0] =	ssyncadd.s32 @!p0 s1  }
0x72: {  	[bflag:$0x3] =	sbarrier.arrive $0xFFFF  }
0x73: {  	_ =	shalt  }

</sc_bundles>
